<compile_context>
chip_gen: v7x
topology: tpu7x:2x2x1
jax: 0.10.2.dev20260603
libtpu: 0.0.44.dev20260713+nightly
codegen_flags: <defaults>
</compile_context>

<pallas_src>
import functools

import jax
import jax.numpy as jnp
from jax import lax
from jax.experimental import pallas as pl
from jax.experimental.pallas import tpu as pltpu
from jax.experimental.pallas import tpu_sc as plsc

_F0 = 1000000
_B = 16384
_D = 32
_L = 16
_FBS = 16000000


@functools.cache
def _make_dot_kernel(num_cores, num_subcores):
    nw = num_cores * num_subcores
    bpw = _B // nw
    nch = bpw // _L
    mesh = plsc.VectorSubcoreMesh(core_axis_name="c", subcore_axis_name="s")

    @functools.partial(
        pl.kernel,
        mesh=mesh,
        out_type=jax.ShapeDtypeStruct((_B,), jnp.float32),
        compiler_params=pltpu.CompilerParams(
            needs_layout_passes=False, use_tc_tiling_on_sc=False),
        scratch_types=[
            pltpu.VMEM((bpw,), jnp.int32),
            pltpu.VMEM((bpw,), jnp.int32),
            pltpu.VMEM((bpw * _D,), jnp.int32),
            pltpu.VMEM((bpw * _D,), jnp.int32),
            pltpu.VMEM((bpw * _D,), jnp.float32),
            pltpu.VMEM((bpw * _D,), jnp.float32),
            pltpu.VMEM((_D,), jnp.float32),
            pltpu.VMEM((_L,), jnp.float32),
            pltpu.VMEM((bpw,), jnp.float32),
            pltpu.SemaphoreType.DMA,
            pltpu.SemaphoreType.DMA,
        ],
    )
    def dot_kernel(uidx_hbm, iraw_hbm, tflat_hbm, fcw_hbm, fcb_hbm, out_hbm,
                   uidx_v, iraw_v, uix_v, iix_v, urows_v, irows_v,
                   w_v, fcb_v, out_v, sem_u, sem_i):
        wid = lax.axis_index("s") * num_cores + lax.axis_index("c")
        base = wid * bpw
        pltpu.sync_copy(uidx_hbm.at[pl.ds(base, bpw)], uidx_v)
        pltpu.sync_copy(iraw_hbm.at[pl.ds(base, bpw)], iraw_v)
        pltpu.sync_copy(fcw_hbm, w_v)
        pltpu.sync_copy(fcb_hbm, fcb_v)

        def build_u(j, carry):
            s = j * _L
            u = uidx_v[pl.ds(s, _L)]
            bu = u + (u >> 7) * 896
            for d in range(_D):
                c = (d >> 3) * _FBS + (d & 7) * 128
                uix_v[pl.ds(d * bpw + s, _L)] = bu + c
            return carry

        def build_i(j, carry):
            s = j * _L
            i = iraw_v[pl.ds(s, _L)] + _F0
            bi = i + (i >> 7) * 896
            for d in range(_D):
                c = (d >> 3) * _FBS + (d & 7) * 128
                iix_v[pl.ds(d * bpw + s, _L)] = bi + c
            return carry

        lax.fori_loop(0, nch, build_u, 0)
        cu = pltpu.async_copy(tflat_hbm.at[uix_v], urows_v, sem_u)
        lax.fori_loop(0, nch, build_i, 0)
        ci = pltpu.async_copy(tflat_hbm.at[iix_v], irows_v, sem_i)
        cu.wait()
        ci.wait()

        w0v = w_v[pl.ds(0, _L)]
        w1v = w_v[pl.ds(_L, _L)]
        fbv = fcb_v[...]

        def body(g, carry):
            o = g * _L
            acc = fbv
            for d in range(_D):
                wd = w0v[d] if d < _L else w1v[d - _L]
                ud = urows_v[pl.ds(d * bpw + o, _L)]
                vd = irows_v[pl.ds(d * bpw + o, _L)]
                acc = acc + ud * vd * wd
            out_v[pl.ds(o, _L)] = acc
            return carry

        lax.fori_loop(0, nch, body, 0)
        pltpu.sync_copy(out_v, out_hbm.at[pl.ds(base, bpw)])

    return dot_kernel


@functools.cache
def _make_bias_kernel(num_cores, num_subcores):
    nw = num_cores * num_subcores
    bpw = _B // nw
    nch = bpw // _L
    mesh = plsc.VectorSubcoreMesh(core_axis_name="c", subcore_axis_name="s")

    @functools.partial(
        pl.kernel,
        mesh=mesh,
        out_type=jax.ShapeDtypeStruct((_B,), jnp.float32),
        compiler_params=pltpu.CompilerParams(
            needs_layout_passes=False, use_tc_tiling_on_sc=False),
        scratch_types=[
            pltpu.VMEM((bpw,), jnp.int32),
            pltpu.VMEM((bpw,), jnp.int32),
            pltpu.VMEM((bpw,), jnp.float32),
            pltpu.VMEM((bpw,), jnp.float32),
            pltpu.VMEM((bpw,), jnp.float32),
            pltpu.SemaphoreType.DMA,
            pltpu.SemaphoreType.DMA,
        ],
    )
    def bias_kernel(uidx_hbm, iraw_hbm, ubias_hbm, ibias_hbm, part_hbm,
                    out_hbm, uidx_v, iraw_v, ubias_v, ibias_v, part_v,
                    sem_bu, sem_bi):
        wid = lax.axis_index("s") * num_cores + lax.axis_index("c")
        base = wid * bpw
        pltpu.sync_copy(uidx_hbm.at[pl.ds(base, bpw)], uidx_v)
        pltpu.sync_copy(iraw_hbm.at[pl.ds(base, bpw)], iraw_v)
        cbu = pltpu.async_copy(ubias_hbm.at[uidx_v], ubias_v, sem_bu)
        cbi = pltpu.async_copy(ibias_hbm.at[iraw_v], ibias_v, sem_bi)
        pltpu.sync_copy(part_hbm.at[pl.ds(base, bpw)], part_v)
        cbu.wait()
        cbi.wait()

        def body(g, carry):
            o = g * _L
            acc = (part_v[pl.ds(o, _L)] + ubias_v[pl.ds(o, _L)]
                   + ibias_v[pl.ds(o, _L)])
            part_v[pl.ds(o, _L)] = acc
            return carry

        lax.fori_loop(0, nch, body, 0)
        pltpu.sync_copy(part_v, out_hbm.at[pl.ds(base, bpw)])

    return bias_kernel


def kernel(x, table, user_bias, item_bias, fc_w, fc_b):
    uidx = x[:, 0].astype(jnp.int32)
    iraw = x[:, 1].astype(jnp.int32)
    tflat = jnp.transpose(
        jnp.reshape(table, (15625, 128, 4, 8)), (2, 0, 3, 1)).reshape(-1)
    info = plsc.get_sparse_core_info()
    kd = _make_dot_kernel(info.num_cores, info.num_subcores)
    kb = _make_bias_kernel(info.num_cores, info.num_subcores)
    part = kd(uidx, iraw, tflat, fc_w.reshape(-1),
              jnp.broadcast_to(fc_b.reshape(()), (_L,)))
    return kb(uidx, iraw, user_bias.reshape(-1), item_bias.reshape(-1), part)

# --- scband reference (transcript-rebuilt; emitter-appended) ---
"""Pipeline reference for scband-general-matrix-factorize-model-90452011254086 (READ-ONLY COPY).

The authoritative reference and input builder live on the scoring server;
editing this copy changes nothing except your own understanding.
"""

import jax, jax.numpy as jnp
import numpy as np

FIELD_DIMS = (1000000, 1000000)
EMBED_DIM = 32
BATCH = 16384


def setup_inputs(seed: int = 0) -> dict:
    key = jax.random.key(seed)
    k1, k2, k3 = jax.random.split(key, 3)
    # x[:, 0] = user ids in [0, field_dims[0]); x[:, 1] = item ids in [0, field_dims[1])
    x = jax.random.randint(k1, (BATCH, 2), 0, 1000000)
    # FeaturesEmbedding: single concatenated table of size sum(field_dims)
    table = jax.random.normal(k2, (sum(FIELD_DIMS), EMBED_DIM), dtype=jnp.float32) * 0.01
    user_bias = jnp.zeros((FIELD_DIMS[0], 1), dtype=jnp.float32)
    item_bias = jnp.zeros((FIELD_DIMS[1], 1), dtype=jnp.float32)
    fc_w = jax.random.normal(k3, (1, EMBED_DIM), dtype=jnp.float32) * (1.0 / np.sqrt(EMBED_DIM))
    fc_b = jnp.zeros((1,), dtype=jnp.float32)
    return {"x": x, "table": table, "user_bias": user_bias, "item_bias": item_bias, "fc_w": fc_w, "fc_b": fc_b}


def reference(x, table, user_bias, item_bias, fc_w, fc_b):
    offsets = jnp.array([0, FIELD_DIMS[0]], dtype=x.dtype)
    user_idx = x[:, 0]
    item_idx = x[:, 1]
    b_u = jnp.take(user_bias, user_idx, axis=0).reshape(-1)
    b_i = jnp.take(item_bias, item_idx, axis=0).reshape(-1)
    # FeaturesEmbedding forward: gather from concatenated table with per-field offsets
    emb = jnp.take(table, x + offsets[None, :], axis=0)  # [B, 2, D]
    user_x = emb[:, 0, :]
    item_x = emb[:, 1, :]
    gmf = user_x * item_x
    out = (gmf @ fc_w.T + fc_b).reshape(-1)
    out = out + b_u + b_i
    return out

if __name__ == "__main__":
    import jax
    _d = setup_inputs()
    print(jax.jit(kernel)(*tuple(_d.values())))

</pallas_src>

<mosaic_0001>
#map = affine_map<(d0, d1) -> (0)>
module attributes {stable_mosaic.version = 14 : i64} {
  func.func @dot_kernel(%arg0: i32, %arg1: i32, %arg2: memref<16384xi32, #tpu.memory_space<hbm>>, %arg3: memref<16384xi32, #tpu.memory_space<hbm>>, %arg4: memref<64000000xf32, #tpu.memory_space<hbm>>, %arg5: memref<32xf32, #tpu.memory_space<hbm>>, %arg6: memref<16xf32, #tpu.memory_space<hbm>>, %arg7: memref<16384xf32, #tpu.memory_space<hbm>>, %arg8: memref<512xi32, #tpu.memory_space<vmem>>, %arg9: memref<512xi32, #tpu.memory_space<vmem>>, %arg10: memref<16384xi32, #tpu.memory_space<vmem>>, %arg11: memref<16384xi32, #tpu.memory_space<vmem>>, %arg12: memref<16384xf32, #tpu.memory_space<vmem>>, %arg13: memref<16384xf32, #tpu.memory_space<vmem>>, %arg14: memref<32xf32, #tpu.memory_space<vmem>>, %arg15: memref<16xf32, #tpu.memory_space<vmem>>, %arg16: memref<512xf32, #tpu.memory_space<vmem>>, %arg17: memref<!tpu.dma_semaphore, #tpu.memory_space<semaphore_mem>>, %arg18: memref<!tpu.dma_semaphore, #tpu.memory_space<semaphore_mem>>) attributes {dimension_semantics = [#tpu.dimension_semantics<core_parallel>, #tpu.dimension_semantics<subcore_parallel>], iteration_bounds = array<i64: 2, 16>, scalar_prefetch = 0 : i64, scratch_operands = 11 : i64, tpu.core_type = #tpu.core_type<sc_vector_subcore>, window_params = [{transform_indices = #map}, {transform_indices = #map}, {transform_indices = #map}, {transform_indices = #map}, {transform_indices = #map}, {transform_indices = #map}]} {
    %mul3A = arith.constant 2 : i32
    %mul3A_0 = arith.muli %arg1, %mul3A : i32
    %add3A = arith.addi %mul3A_0, %arg0 : i32
    %mul3A_1 = arith.constant 512 : i32
    %mul3A_2 = arith.muli %add3A, %mul3A_1 : i32
    "tpu.region"() ({
      %run_scoped3A = tpu.sem_alloc : memref<!tpu.dma_semaphore, #tpu.memory_space<semaphore_mem>>
      %dma_start3A_31 = tpu.memref_slice %arg2[%mul3A_2] : memref<16384xi32, #tpu.memory_space<hbm>> -> memref<512xi32, #tpu.memory_space<hbm>>
      %dma_start3A_32 = tpu.memref_slice %arg2[%mul3A_2] : memref<16384xi32, #tpu.memory_space<hbm>> -> memref<512xi32, #tpu.memory_space<hbm>>
      tpu.enqueue_dma source(%dma_start3A_32 : memref<512xi32, #tpu.memory_space<hbm>>) target(%arg8 : memref<512xi32, #tpu.memory_space<vmem>>) target_semaphore(%run_scoped3A : memref<!tpu.dma_semaphore, #tpu.memory_space<semaphore_mem>>)
      %dma_wait3A_33 = tpu.memref_slice %arg2[%mul3A_2] : memref<16384xi32, #tpu.memory_space<hbm>> -> memref<512xi32, #tpu.memory_space<hbm>>
      %dma_wait3A_34 = tpu.memref_slice %arg2[%mul3A_2] : memref<16384xi32, #tpu.memory_space<hbm>> -> memref<512xi32, #tpu.memory_space<hbm>>
      tpu.wait_dma2 semaphore(%run_scoped3A : memref<!tpu.dma_semaphore, #tpu.memory_space<semaphore_mem>>) src(%dma_wait3A_34 : memref<512xi32, #tpu.memory_space<hbm>>) dst(%arg8 : memref<512xi32, #tpu.memory_space<vmem>>)
      tpu.yield
    }) : () -> ()
    "tpu.region"() ({
      %run_scoped3A = tpu.sem_alloc : memref<!tpu.dma_semaphore, #tpu.memory_space<semaphore_mem>>
      %dma_start3A_31 = tpu.memref_slice %arg3[%mul3A_2] : memref<16384xi32, #tpu.memory_space<hbm>> -> memref<512xi32, #tpu.memory_space<hbm>>
      %dma_start3A_32 = tpu.memref_slice %arg3[%mul3A_2] : memref<16384xi32, #tpu.memory_space<hbm>> -> memref<512xi32, #tpu.memory_space<hbm>>
      tpu.enqueue_dma source(%dma_start3A_32 : memref<512xi32, #tpu.memory_space<hbm>>) target(%arg9 : memref<512xi32, #tpu.memory_space<vmem>>) target_semaphore(%run_scoped3A : memref<!tpu.dma_semaphore, #tpu.memory_space<semaphore_mem>>)
      %dma_wait3A_33 = tpu.memref_slice %arg3[%mul3A_2] : memref<16384xi32, #tpu.memory_space<hbm>> -> memref<512xi32, #tpu.memory_space<hbm>>
      %dma_wait3A_34 = tpu.memref_slice %arg3[%mul3A_2] : memref<16384xi32, #tpu.memory_space<hbm>> -> memref<512xi32, #tpu.memory_space<hbm>>
      tpu.wait_dma2 semaphore(%run_scoped3A : memref<!tpu.dma_semaphore, #tpu.memory_space<semaphore_mem>>) src(%dma_wait3A_34 : memref<512xi32, #tpu.memory_space<hbm>>) dst(%arg9 : memref<512xi32, #tpu.memory_space<vmem>>)
      tpu.yield
    }) : () -> ()
    "tpu.region"() ({
      %run_scoped3A = tpu.sem_alloc : memref<!tpu.dma_semaphore, #tpu.memory_space<semaphore_mem>>
      tpu.enqueue_dma source(%arg5 : memref<32xf32, #tpu.memory_space<hbm>>) target(%arg14 : memref<32xf32, #tpu.memory_space<vmem>>) target_semaphore(%run_scoped3A : memref<!tpu.dma_semaphore, #tpu.memory_space<semaphore_mem>>)
      tpu.wait_dma2 semaphore(%run_scoped3A : memref<!tpu.dma_semaphore, #tpu.memory_space<semaphore_mem>>) src(%arg5 : memref<32xf32, #tpu.memory_space<hbm>>) dst(%arg14 : memref<32xf32, #tpu.memory_space<vmem>>)
      tpu.yield
    }) : () -> ()
    "tpu.region"() ({
      %run_scoped3A = tpu.sem_alloc : memref<!tpu.dma_semaphore, #tpu.memory_space<semaphore_mem>>
      tpu.enqueue_dma source(%arg6 : memref<16xf32, #tpu.memory_space<hbm>>) target(%arg15 : memref<16xf32, #tpu.memory_space<vmem>>) target_semaphore(%run_scoped3A : memref<!tpu.dma_semaphore, #tpu.memory_space<semaphore_mem>>)
      tpu.wait_dma2 semaphore(%run_scoped3A : memref<!tpu.dma_semaphore, #tpu.memory_space<semaphore_mem>>) src(%arg6 : memref<16xf32, #tpu.memory_space<hbm>>) dst(%arg15 : memref<16xf32, #tpu.memory_space<vmem>>)
      tpu.yield
    }) : () -> ()
    %scan3A = arith.constant 0 : i32
    %scan3A_3 = arith.constant 0 : i32
    %scan3A_4 = arith.constant 32 : i32
    %scan3A_5 = arith.addi %scan3A_3, %scan3A_4 : i32
    %scan3A_6 = arith.constant 1 : i32
    scf.for %scan3A_31 = %scan3A_3 to %scan3A_5 step %scan3A_6  : i32 {
      %mul3A_32 = arith.constant 16 : i32
      %mul3A_33 = arith.muli %scan3A_31, %mul3A_32 : i32
      %get3A_34 = arith.index_cast %mul3A_33 : i32 to index
      %get3A_35 = tpu.vector_load %arg8[%get3A_34] {strides = array<i32>} : memref<512xi32, #tpu.memory_space<vmem>>, vector<16xi32>,
      %shift_right_arithmetic3A = arith.constant 7 : i32
      %shift_right_arithmetic3A_36 = vector.broadcast %shift_right_arithmetic3A : i32 to vector<16xi32>
      %shift_right_arithmetic3A_37 = arith.shrsi %get3A_35, %shift_right_arithmetic3A_36 : vector<16xi32>
      %mul3A_38 = arith.constant 896 : i32
      %mul3A_39 = vector.broadcast %mul3A_38 : i32 to vector<16xi32>
      %mul3A_40 = arith.muli %shift_right_arithmetic3A_37, %mul3A_39 : vector<16xi32>
      %add3A_41 = arith.addi %get3A_35, %mul3A_40 : vector<16xi32>
      %add3A_42 = arith.constant 0 : i32
      %add3A_43 = vector.broadcast %add3A_42 : i32 to vector<16xi32>
      %add3A_44 = arith.addi %add3A_41, %add3A_43 : vector<16xi32>
      %add3A_45 = arith.constant 0 : i32
      %add3A_46 = arith.addi %add3A_45, %mul3A_33 : i32
      %swap3A = arith.index_cast %add3A_46 : i32 to index
      %swap3A_47 = tpu.vector_load %arg10[%swap3A] {strides = array<i32>} : memref<16384xi32, #tpu.memory_space<vmem>>, vector<16xi32>,
      tpu.vector_store %arg10[%swap3A], %add3A_44 {strides = array<i32>} : memref<16384xi32, #tpu.memory_space<vmem>>, vector<16xi32>,
      %add3A_48 = arith.constant 128 : i32
      %add3A_49 = vector.broadcast %add3A_48 : i32 to vector<16xi32>
      %add3A_50 = arith.addi %add3A_41, %add3A_49 : vector<16xi32>
      %add3A_51 = arith.constant 512 : i32
      %add3A_52 = arith.addi %add3A_51, %mul3A_33 : i32
      %swap3A_53 = arith.index_cast %add3A_52 : i32 to index
      %swap3A_54 = tpu.vector_load %arg10[%swap3A_53] {strides = array<i32>} : memref<16384xi32, #tpu.memory_space<vmem>>, vector<16xi32>,
      tpu.vector_store %arg10[%swap3A_53], %add3A_50 {strides = array<i32>} : memref<16384xi32, #tpu.memory_space<vmem>>, vector<16xi32>,
      %add3A_55 = arith.constant 256 : i32
      %add3A_56 = vector.broadcast %add3A_55 : i32 to vector<16xi32>
      %add3A_57 = arith.addi %add3A_41, %add3A_56 : vector<16xi32>
      %add3A_58 = arith.constant 1024 : i32
      %add3A_59 = arith.addi %add3A_58, %mul3A_33 : i32
      %swap3A_60 = arith.index_cast %add3A_59 : i32 to index
      %swap3A_61 = tpu.vector_load %arg10[%swap3A_60] {strides = array<i32>} : memref<16384xi32, #tpu.memory_space<vmem>>, vector<16xi32>,
      tpu.vector_store %arg10[%swap3A_60], %add3A_57 {strides = array<i32>} : memref<16384xi32, #tpu.memory_space<vmem>>, vector<16xi32>,
      %add3A_62 = arith.constant 384 : i32
      %add3A_63 = vector.broadcast %add3A_62 : i32 to vector<16xi32>
      %add3A_64 = arith.addi %add3A_41, %add3A_63 : vector<16xi32>
      %add3A_65 = arith.constant 1536 : i32
      %add3A_66 = arith.addi %add3A_65, %mul3A_33 : i32
      %swap3A_67 = arith.index_cast %add3A_66 : i32 to index
      %swap3A_68 = tpu.vector_load %arg10[%swap3A_67] {strides = array<i32>} : memref<16384xi32, #tpu.memory_space<vmem>>, vector<16xi32>,
      tpu.vector_store %arg10[%swap3A_67], %add3A_64 {strides = array<i32>} : memref<16384xi32, #tpu.memory_space<vmem>>, vector<16xi32>,
      %add3A_69 = arith.constant 512 : i32
      %add3A_70 = vector.broadcast %add3A_69 : i32 to vector<16xi32>
      %add3A_71 = arith.addi %add3A_41, %add3A_70 : vector<16xi32>
      %add3A_72 = arith.constant 2048 : i32
      %add3A_73 = arith.addi %add3A_72, %mul3A_33 : i32
      %swap3A_74 = arith.index_cast %add3A_73 : i32 to index
      %swap3A_75 = tpu.vector_load %arg10[%swap3A_74] {strides = array<i32>} : memref<16384xi32, #tpu.memory_space<vmem>>, vector<16xi32>,
      tpu.vector_store %arg10[%swap3A_74], %add3A_71 {strides = array<i32>} : memref<16384xi32, #tpu.memory_space<vmem>>, vector<16xi32>,
      %add3A_76 = arith.constant 640 : i32
      %add3A_77 = vector.broadcast %add3A_76 : i32 to vector<16xi32>
      %add3A_78 = arith.addi %add3A_41, %add3A_77 : vector<16xi32>
      %add3A_79 = arith.constant 2560 : i32
      %add3A_80 = arith.addi %add3A_79, %mul3A_33 : i32
      %swap3A_81 = arith.index_cast %add3A_80 : i32 to index
      %swap3A_82 = tpu.vector_load %arg10[%swap3A_81] {strides = array<i32>} : memref<16384xi32, #tpu.memory_space<vmem>>, vector<16xi32>,
      tpu.vector_store %arg10[%swap3A_81], %add3A_78 {strides = array<i32>} : memref<16384xi32, #tpu.memory_space<vmem>>, vector<16xi32>,
      %add3A_83 = arith.constant 768 : i32
      %add3A_84 = vector.broadcast %add3A_83 : i32 to vector<16xi32>
      %add3A_85 = arith.addi %add3A_41, %add3A_84 : vector<16xi32>
      %add3A_86 = arith.constant 3072 : i32
      %add3A_87 = arith.addi %add3A_86, %mul3A_33 : i32
      %swap3A_88 = arith.index_cast %add3A_87 : i32 to index
      %swap3A_89 = tpu.vector_load %arg10[%swap3A_88] {strides = array<i32>} : memref<16384xi32, #tpu.memory_space<vmem>>, vector<16xi32>,
      tpu.vector_store %arg10[%swap3A_88], %add3A_85 {strides = array<i32>} : memref<16384xi32, #tpu.memory_space<vmem>>, vector<16xi32>,
      %add3A_90 = arith.constant 896 : i32
      %add3A_91 = vector.broadcast %add3A_90 : i32 to vector<16xi32>
      %add3A_92 = arith.addi %add3A_41, %add3A_91 : vector<16xi32>
      %add3A_93 = arith.constant 3584 : i32
      %add3A_94 = arith.addi %add3A_93, %mul3A_33 : i32
      %swap3A_95 = arith.index_cast %add3A_94 : i32 to index
      %swap3A_96 = tpu.vector_load %arg10[%swap3A_95] {strides = array<i32>} : memref<16384xi32, #tpu.memory_space<vmem>>, vector<16xi32>,
      tpu.vector_store %arg10[%swap3A_95], %add3A_92 {strides = array<i32>} : memref<16384xi32, #tpu.memory_space<vmem>>, vector<16xi32>,
      %add3A_97 = arith.constant 16000000 : i32
      %add3A_98 = vector.broadcast %add3A_97 : i32 to vector<16xi32>
      %add3A_99 = arith.addi %add3A_41, %add3A_98 : vector<16xi32>
      %add3A_100 = arith.constant 4096 : i32
      %add3A_101 = arith.addi %add3A_100, %mul3A_33 : i32
      %swap3A_102 = arith.index_cast %add3A_101 : i32 to index
      %swap3A_103 = tpu.vector_load %arg10[%swap3A_102] {strides = array<i32>} : memref<16384xi32, #tpu.memory_space<vmem>>, vector<16xi32>,
      tpu.vector_store %arg10[%swap3A_102], %add3A_99 {strides = array<i32>} : memref<16384xi32, #tpu.memory_space<vmem>>, vector<16xi32>,
      %add3A_104 = arith.constant 16000128 : i32
      %add3A_105 = vector.broadcast %add3A_104 : i32 to vector<16xi32>
      %add3A_106 = arith.addi %add3A_41, %add3A_105 : vector<16xi32>
      %add3A_107 = arith.constant 4608 : i32
      %add3A_108 = arith.addi %add3A_107, %mul3A_33 : i32
      %swap3A_109 = arith.index_cast %add3A_108 : i32 to index
      %swap3A_110 = tpu.vector_load %arg10[%swap3A_109] {strides = array<i32>} : memref<16384xi32, #tpu.memory_space<vmem>>, vector<16xi32>,
      tpu.vector_store %arg10[%swap3A_109], %add3A_106 {strides = array<i32>} : memref<16384xi32, #tpu.memory_space<vmem>>, vector<16xi32>,
      %add3A_111 = arith.constant 16000256 : i32
      %add3A_112 = vector.broadcast %add3A_111 : i32 to vector<16xi32>
      %add3A_113 = arith.addi %add3A_41, %add3A_112 : vector<16xi32>
      %add3A_114 = arith.constant 5120 : i32
      %add3A_115 = arith.addi %add3A_114, %mul3A_33 : i32
      %swap3A_116 = arith.index_cast %add3A_115 : i32 to index
      %swap3A_117 = tpu.vector_load %arg10[%swap3A_116] {strides = array<i32>} : memref<16384xi32, #tpu.memory_space<vmem>>, vector<16xi32>,
      tpu.vector_store %arg10[%swap3A_116], %add3A_113 {strides = array<i32>} : memref<16384xi32, #tpu.memory_space<vmem>>, vector<16xi32>,
      %add3A_118 = arith.constant 16000384 : i32
      %add3A_119 = vector.broadcast %add3A_118 : i32 to vector<16xi32>
      %add3A_120 = arith.addi %add3A_41, %add3A_119 : vector<16xi32>
      %add3A_121 = arith.constant 5632 : i32
      %add3A_122 = arith.addi %add3A_121, %mul3A_33 : i32
      %swap3A_123 = arith.index_cast %add3A_122 : i32 to index
      %swap3A_124 = tpu.vector_load %arg10[%swap3A_123] {strides = array<i32>} : memref<16384xi32, #tpu.memory_space<vmem>>, vector<16xi32>,
      tpu.vector_store %arg10[%swap3A_123], %add3A_120 {strides = array<i32>} : memref<16384xi32, #tpu.memory_space<vmem>>, vector<16xi32>,
      %add3A_125 = arith.constant 16000512 : i32
      %add3A_126 = vector.broadcast %add3A_125 : i32 to vector<16xi32>
      %add3A_127 = arith.addi %add3A_41, %add3A_126 : vector<16xi32>
      %add3A_128 = arith.constant 6144 : i32
      %add3A_129 = arith.addi %add3A_128, %mul3A_33 : i32
      %swap3A_130 = arith.index_cast %add3A_129 : i32 to index
      %swap3A_131 = tpu.vector_load %arg10[%swap3A_130] {strides = array<i32>} : memref<16384xi32, #tpu.memory_space<vmem>>, vector<16xi32>,
      tpu.vector_store %arg10[%swap3A_130], %add3A_127 {strides = array<i32>} : memref<16384xi32, #tpu.memory_space<vmem>>, vector<16xi32>,
      %add3A_132 = arith.constant 16000640 : i32
      %add3A_133 = vector.broadcast %add3A_132 : i32 to vector<16xi32>
      %add3A_134 = arith.addi %add3A_41, %add3A_133 : vector<16xi32>
      %add3A_135 = arith.constant 6656 : i32
      %add3A_136 = arith.addi %add3A_135, %mul3A_33 : i32
      %swap3A_137 = arith.index_cast %add3A_136 : i32 to index
      %swap3A_138 = tpu.vector_load %arg10[%swap3A_137] {strides = array<i32>} : memref<16384xi32, #tpu.memory_space<vmem>>, vector<16xi32>,
      tpu.vector_store %arg10[%swap3A_137], %add3A_134 {strides = array<i32>} : memref<16384xi32, #tpu.memory_space<vmem>>, vector<16xi32>,
      %add3A_139 = arith.constant 16000768 : i32
      %add3A_140 = vector.broadcast %add3A_139 : i32 to vector<16xi32>
      %add3A_141 = arith.addi %add3A_41, %add3A_140 : vector<16xi32>
      %add3A_142 = arith.constant 7168 : i32
      %add3A_143 = arith.addi %add3A_142, %mul3A_33 : i32
      %swap3A_144 = arith.index_cast %add3A_143 : i32 to index
      %swap3A_145 = tpu.vector_load %arg10[%swap3A_144] {strides = array<i32>} : memref<16384xi32, #tpu.memory_space<vmem>>, vector<16xi32>,
      tpu.vector_store %arg10[%swap3A_144], %add3A_141 {strides = array<i32>} : memref<16384xi32, #tpu.memory_space<vmem>>, vector<16xi32>,
      %add3A_146 = arith.constant 16000896 : i32
      %add3A_147 = vector.broadcast %add3A_146 : i32 to vector<16xi32>
      %add3A_148 = arith.addi %add3A_41, %add3A_147 : vector<16xi32>
      %add3A_149 = arith.constant 7680 : i32
      %add3A_150 = arith.addi %add3A_149, %mul3A_33 : i32
      %swap3A_151 = arith.index_cast %add3A_150 : i32 to index
      %swap3A_152 = tpu.vector_load %arg10[%swap3A_151] {strides = array<i32>} : memref<16384xi32, #tpu.memory_space<vmem>>, vector<16xi32>,
      tpu.vector_store %arg10[%swap3A_151], %add3A_148 {strides = array<i32>} : memref<16384xi32, #tpu.memory_space<vmem>>, vector<16xi32>,
      %add3A_153 = arith.constant 32000000 : i32
      %add3A_154 = vector.broadcast %add3A_153 : i32 to vector<16xi32>
      %add3A_155 = arith.addi %add3A_41, %add3A_154 : vector<16xi32>
      %add3A_156 = arith.constant 8192 : i32
      %add3A_157 = arith.addi %add3A_156, %mul3A_33 : i32
      %swap3A_158 = arith.index_cast %add3A_157 : i32 to index
      %swap3A_159 = tpu.vector_load %arg10[%swap3A_158] {strides = array<i32>} : memref<16384xi32, #tpu.memory_space<vmem>>, vector<16xi32>,
      tpu.vector_store %arg10[%swap3A_158], %add3A_155 {strides = array<i32>} : memref<16384xi32, #tpu.memory_space<vmem>>, vector<16xi32>,
      %add3A_160 = arith.constant 32000128 : i32
      %add3A_161 = vector.broadcast %add3A_160 : i32 to vector<16xi32>
      %add3A_162 = arith.addi %add3A_41, %add3A_161 : vector<16xi32>
      %add3A_163 = arith.constant 8704 : i32
      %add3A_164 = arith.addi %add3A_163, %mul3A_33 : i32
      %swap3A_165 = arith.index_cast %add3A_164 : i32 to index
      %swap3A_166 = tpu.vector_load %arg10[%swap3A_165] {strides = array<i32>} : memref<16384xi32, #tpu.memory_space<vmem>>, vector<16xi32>,
      tpu.vector_store %arg10[%swap3A_165], %add3A_162 {strides = array<i32>} : memref<16384xi32, #tpu.memory_space<vmem>>, vector<16xi32>,
      %add3A_167 = arith.constant 32000256 : i32
      %add3A_168 = vector.broadcast %add3A_167 : i32 to vector<16xi32>
      %add3A_169 = arith.addi %add3A_41, %add3A_168 : vector<16xi32>
      %add3A_170 = arith.constant 9216 : i32
      %add3A_171 = arith.addi %add3A_170, %mul3A_33 : i32
      %swap3A_172 = arith.index_cast %add3A_171 : i32 to index
      %swap3A_173 = tpu.vector_load %arg10[%swap3A_172] {strides = array<i32>} : memref<16384xi32, #tpu.memory_space<vmem>>, vector<16xi32>,
      tpu.vector_store %arg10[%swap3A_172], %add3A_169 {strides = array<i32>} : memref<16384xi32, #tpu.memory_space<vmem>>, vector<16xi32>,
      %add3A_174 = arith.constant 32000384 : i32
      %add3A_175 = vector.broadcast %add3A_174 : i32 to vector<16xi32>
      %add3A_176 = arith.addi %add3A_41, %add3A_175 : vector<16xi32>
      %add3A_177 = arith.constant 9728 : i32
      %add3A_178 = arith.addi %add3A_177, %mul3A_33 : i32
      %swap3A_179 = arith.index_cast %add3A_178 : i32 to index
      %swap3A_180 = tpu.vector_load %arg10[%swap3A_179] {strides = array<i32>} : memref<16384xi32, #tpu.memory_space<vmem>>, vector<16xi32>,
      tpu.vector_store %arg10[%swap3A_179], %add3A_176 {strides = array<i32>} : memref<16384xi32, #tpu.memory_space<vmem>>, vector<16xi32>,
      %add3A_181 = arith.constant 32000512 : i32
      %add3A_182 = vector.broadcast %add3A_181 : i32 to vector<16xi32>
      %add3A_183 = arith.addi %add3A_41, %add3A_182 : vector<16xi32>
      %add3A_184 = arith.constant 10240 : i32
      %add3A_185 = arith.addi %add3A_184, %mul3A_33 : i32
      %swap3A_186 = arith.index_cast %add3A_185 : i32 to index
      %swap3A_187 = tpu.vector_load %arg10[%swap3A_186] {strides = array<i32>} : memref<16384xi32, #tpu.memory_space<vmem>>, vector<16xi32>,
      tpu.vector_store %arg10[%swap3A_186], %add3A_183 {strides = array<i32>} : memref<16384xi32, #tpu.memory_space<vmem>>, vector<16xi32>,
      %add3A_188 = arith.constant 32000640 : i32
      %add3A_189 = vector.broadcast %add3A_188 : i32 to vector<16xi32>
      %add3A_190 = arith.addi %add3A_41, %add3A_189 : vector<16xi32>
      %add3A_191 = arith.constant 10752 : i32
      %add3A_192 = arith.addi %add3A_191, %mul3A_33 : i32
      %swap3A_193 = arith.index_cast %add3A_192 : i32 to index
      %swap3A_194 = tpu.vector_load %arg10[%swap3A_193] {strides = array<i32>} : memref<16384xi32, #tpu.memory_space<vmem>>, vector<16xi32>,
      tpu.vector_store %arg10[%swap3A_193], %add3A_190 {strides = array<i32>} : memref<16384xi32, #tpu.memory_space<vmem>>, vector<16xi32>,
      %add3A_195 = arith.constant 32000768 : i32
      %add3A_196 = vector.broadcast %add3A_195 : i32 to vector<16xi32>
      %add3A_197 = arith.addi %add3A_41, %add3A_196 : vector<16xi32>
      %add3A_198 = arith.constant 11264 : i32
      %add3A_199 = arith.addi %add3A_198, %mul3A_33 : i32
      %swap3A_200 = arith.index_cast %add3A_199 : i32 to index
      %swap3A_201 = tpu.vector_load %arg10[%swap3A_200] {strides = array<i32>} : memref<16384xi32, #tpu.memory_space<vmem>>, vector<16xi32>,
      tpu.vector_store %arg10[%swap3A_200], %add3A_197 {strides = array<i32>} : memref<16384xi32, #tpu.memory_space<vmem>>, vector<16xi32>,
      %add3A_202 = arith.constant 32000896 : i32
      %add3A_203 = vector.broadcast %add3A_202 : i32 to vector<16xi32>
      %add3A_204 = arith.addi %add3A_41, %add3A_203 : vector<16xi32>
      %add3A_205 = arith.constant 11776 : i32
      %add3A_206 = arith.addi %add3A_205, %mul3A_33 : i32
      %swap3A_207 = arith.index_cast %add3A_206 : i32 to index
      %swap3A_208 = tpu.vector_load %arg10[%swap3A_207] {strides = array<i32>} : memref<16384xi32, #tpu.memory_space<vmem>>, vector<16xi32>,
      tpu.vector_store %arg10[%swap3A_207], %add3A_204 {strides = array<i32>} : memref<16384xi32, #tpu.memory_space<vmem>>, vector<16xi32>,
      %add3A_209 = arith.constant 48000000 : i32
      %add3A_210 = vector.broadcast %add3A_209 : i32 to vector<16xi32>
      %add3A_211 = arith.addi %add3A_41, %add3A_210 : vector<16xi32>
      %add3A_212 = arith.constant 12288 : i32
      %add3A_213 = arith.addi %add3A_212, %mul3A_33 : i32
      %swap3A_214 = arith.index_cast %add3A_213 : i32 to index
      %swap3A_215 = tpu.vector_load %arg10[%swap3A_214] {strides = array<i32>} : memref<16384xi32, #tpu.memory_space<vmem>>, vector<16xi32>,
      tpu.vector_store %arg10[%swap3A_214], %add3A_211 {strides = array<i32>} : memref<16384xi32, #tpu.memory_space<vmem>>, vector<16xi32>,
      %add3A_216 = arith.constant 48000128 : i32
      %add3A_217 = vector.broadcast %add3A_216 : i32 to vector<16xi32>
      %add3A_218 = arith.addi %add3A_41, %add3A_217 : vector<16xi32>
      %add3A_219 = arith.constant 12800 : i32
      %add3A_220 = arith.addi %add3A_219, %mul3A_33 : i32
      %swap3A_221 = arith.index_cast %add3A_220 : i32 to index
      %swap3A_222 = tpu.vector_load %arg10[%swap3A_221] {strides = array<i32>} : memref<16384xi32, #tpu.memory_space<vmem>>, vector<16xi32>,
      tpu.vector_store %arg10[%swap3A_221], %add3A_218 {strides = array<i32>} : memref<16384xi32, #tpu.memory_space<vmem>>, vector<16xi32>,
      %add3A_223 = arith.constant 48000256 : i32
      %add3A_224 = vector.broadcast %add3A_223 : i32 to vector<16xi32>
      %add3A_225 = arith.addi %add3A_41, %add3A_224 : vector<16xi32>
      %add3A_226 = arith.constant 13312 : i32
      %add3A_227 = arith.addi %add3A_226, %mul3A_33 : i32
      %swap3A_228 = arith.index_cast %add3A_227 : i32 to index
      %swap3A_229 = tpu.vector_load %arg10[%swap3A_228] {strides = array<i32>} : memref<16384xi32, #tpu.memory_space<vmem>>, vector<16xi32>,
      tpu.vector_store %arg10[%swap3A_228], %add3A_225 {strides = array<i32>} : memref<16384xi32, #tpu.memory_space<vmem>>, vector<16xi32>,
      %add3A_230 = arith.constant 48000384 : i32
      %add3A_231 = vector.broadcast %add3A_230 : i32 to vector<16xi32>
      %add3A_232 = arith.addi %add3A_41, %add3A_231 : vector<16xi32>
      %add3A_233 = arith.constant 13824 : i32
      %add3A_234 = arith.addi %add3A_233, %mul3A_33 : i32
      %swap3A_235 = arith.index_cast %add3A_234 : i32 to index
      %swap3A_236 = tpu.vector_load %arg10[%swap3A_235] {strides = array<i32>} : memref<16384xi32, #tpu.memory_space<vmem>>, vector<16xi32>,
      tpu.vector_store %arg10[%swap3A_235], %add3A_232 {strides = array<i32>} : memref<16384xi32, #tpu.memory_space<vmem>>, vector<16xi32>,
      %add3A_237 = arith.constant 48000512 : i32
      %add3A_238 = vector.broadcast %add3A_237 : i32 to vector<16xi32>
      %add3A_239 = arith.addi %add3A_41, %add3A_238 : vector<16xi32>
      %add3A_240 = arith.constant 14336 : i32
      %add3A_241 = arith.addi %add3A_240, %mul3A_33 : i32
      %swap3A_242 = arith.index_cast %add3A_241 : i32 to index
      %swap3A_243 = tpu.vector_load %arg10[%swap3A_242] {strides = array<i32>} : memref<16384xi32, #tpu.memory_space<vmem>>, vector<16xi32>,
      tpu.vector_store %arg10[%swap3A_242], %add3A_239 {strides = array<i32>} : memref<16384xi32, #tpu.memory_space<vmem>>, vector<16xi32>,
      %add3A_244 = arith.constant 48000640 : i32
      %add3A_245 = vector.broadcast %add3A_244 : i32 to vector<16xi32>
      %add3A_246 = arith.addi %add3A_41, %add3A_245 : vector<16xi32>
      %add3A_247 = arith.constant 14848 : i32
      %add3A_248 = arith.addi %add3A_247, %mul3A_33 : i32
      %swap3A_249 = arith.index_cast %add3A_248 : i32 to index
      %swap3A_250 = tpu.vector_load %arg10[%swap3A_249] {strides = array<i32>} : memref<16384xi32, #tpu.memory_space<vmem>>, vector<16xi32>,
      tpu.vector_store %arg10[%swap3A_249], %add3A_246 {strides = array<i32>} : memref<16384xi32, #tpu.memory_space<vmem>>, vector<16xi32>,
      %add3A_251 = arith.constant 48000768 : i32
      %add3A_252 = vector.broadcast %add3A_251 : i32 to vector<16xi32>
      %add3A_253 = arith.addi %add3A_41, %add3A_252 : vector<16xi32>
      %add3A_254 = arith.constant 15360 : i32
      %add3A_255 = arith.addi %add3A_254, %mul3A_33 : i32
      %swap3A_256 = arith.index_cast %add3A_255 : i32 to index
      %swap3A_257 = tpu.vector_load %arg10[%swap3A_256] {strides = array<i32>} : memref<16384xi32, #tpu.memory_space<vmem>>, vector<16xi32>,
      tpu.vector_store %arg10[%swap3A_256], %add3A_253 {strides = array<i32>} : memref<16384xi32, #tpu.memory_space<vmem>>, vector<16xi32>,
      %add3A_258 = arith.constant 48000896 : i32
      %add3A_259 = vector.broadcast %add3A_258 : i32 to vector<16xi32>
      %add3A_260 = arith.addi %add3A_41, %add3A_259 : vector<16xi32>
      %add3A_261 = arith.constant 15872 : i32
      %add3A_262 = arith.addi %add3A_261, %mul3A_33 : i32
      %swap3A_263 = arith.index_cast %add3A_262 : i32 to index
      %swap3A_264 = tpu.vector_load %arg10[%swap3A_263] {strides = array<i32>} : memref<16384xi32, #tpu.memory_space<vmem>>, vector<16xi32>,
      tpu.vector_store %arg10[%swap3A_263], %add3A_260 {strides = array<i32>} : memref<16384xi32, #tpu.memory_space<vmem>>, vector<16xi32>,
    }
    %scan3A_7 = arith.constant 32 : i32
    %dma_start3A = arith.constant 0 : i32
    %dma_start3A_8 = tpu.memref_slice %arg4[%dma_start3A] : memref<64000000xf32, #tpu.memory_space<hbm>> -> memref<64000000xf32, #tpu.memory_space<hbm>>
    tpu.enqueue_indirect_dma source(%dma_start3A_8 : memref<64000000xf32, #tpu.memory_space<hbm>>) target(%arg12 : memref<16384xf32, #tpu.memory_space<vmem>>) offsets(%arg10 : memref<16384xi32, #tpu.memory_space<vmem>>) semaphore(%arg17 : memref<!tpu.dma_semaphore, #tpu.memory_space<semaphore_mem>>)
    %scan3A_9 = arith.constant 0 : i32
    %scan3A_10 = arith.constant 0 : i32
    %scan3A_11 = arith.constant 32 : i32
    %scan3A_12 = arith.addi %scan3A_10, %scan3A_11 : i32
    %scan3A_13 = arith.constant 1 : i32
    scf.for %scan3A_31 = %scan3A_10 to %scan3A_12 step %scan3A_13  : i32 {
      %mul3A_32 = arith.constant 16 : i32
      %mul3A_33 = arith.muli %scan3A_31, %mul3A_32 : i32
      %get3A_34 = arith.index_cast %mul3A_33 : i32 to index
      %get3A_35 = tpu.vector_load %arg9[%get3A_34] {strides = array<i32>} : memref<512xi32, #tpu.memory_space<vmem>>, vector<16xi32>,
      %add3A_36 = arith.constant 1000000 : i32
      %add3A_37 = vector.broadcast %add3A_36 : i32 to vector<16xi32>
      %add3A_38 = arith.addi %get3A_35, %add3A_37 : vector<16xi32>
      %shift_right_arithmetic3A = arith.constant 7 : i32
      %shift_right_arithmetic3A_39 = vector.broadcast %shift_right_arithmetic3A : i32 to vector<16xi32>
      %shift_right_arithmetic3A_40 = arith.shrsi %add3A_38, %shift_right_arithmetic3A_39 : vector<16xi32>
      %mul3A_41 = arith.constant 896 : i32
      %mul3A_42 = vector.broadcast %mul3A_41 : i32 to vector<16xi32>
      %mul3A_43 = arith.muli %shift_right_arithmetic3A_40, %mul3A_42 : vector<16xi32>
      %add3A_44 = arith.addi %add3A_38, %mul3A_43 : vector<16xi32>
      %add3A_45 = arith.constant 0 : i32
      %add3A_46 = vector.broadcast %add3A_45 : i32 to vector<16xi32>
      %add3A_47 = arith.addi %add3A_44, %add3A_46 : vector<16xi32>
      %add3A_48 = arith.constant 0 : i32
      %add3A_49 = arith.addi %add3A_48, %mul3A_33 : i32
      %swap3A = arith.index_cast %add3A_49 : i32 to index
      %swap3A_50 = tpu.vector_load %arg11[%swap3A] {strides = array<i32>} : memref<16384xi32, #tpu.memory_space<vmem>>, vector<16xi32>,
      tpu.vector_store %arg11[%swap3A], %add3A_47 {strides = array<i32>} : memref<16384xi32, #tpu.memory_space<vmem>>, vector<16xi32>,
      %add3A_51 = arith.constant 128 : i32
      %add3A_52 = vector.broadcast %add3A_51 : i32 to vector<16xi32>
      %add3A_53 = arith.addi %add3A_44, %add3A_52 : vector<16xi32>
      %add3A_54 = arith.constant 512 : i32
      %add3A_55 = arith.addi %add3A_54, %mul3A_33 : i32
      %swap3A_56 = arith.index_cast %add3A_55 : i32 to index
      %swap3A_57 = tpu.vector_load %arg11[%swap3A_56] {strides = array<i32>} : memref<16384xi32, #tpu.memory_space<vmem>>, vector<16xi32>,
      tpu.vector_store %arg11[%swap3A_56], %add3A_53 {strides = array<i32>} : memref<16384xi32, #tpu.memory_space<vmem>>, vector<16xi32>,
      %add3A_58 = arith.constant 256 : i32
      %add3A_59 = vector.broadcast %add3A_58 : i32 to vector<16xi32>
      %add3A_60 = arith.addi %add3A_44, %add3A_59 : vector<16xi32>
      %add3A_61 = arith.constant 1024 : i32
      %add3A_62 = arith.addi %add3A_61, %mul3A_33 : i32
      %swap3A_63 = arith.index_cast %add3A_62 : i32 to index
      %swap3A_64 = tpu.vector_load %arg11[%swap3A_63] {strides = array<i32>} : memref<16384xi32, #tpu.memory_space<vmem>>, vector<16xi32>,
      tpu.vector_store %arg11[%swap3A_63], %add3A_60 {strides = array<i32>} : memref<16384xi32, #tpu.memory_space<vmem>>, vector<16xi32>,
      %add3A_65 = arith.constant 384 : i32
      %add3A_66 = vector.broadcast %add3A_65 : i32 to vector<16xi32>
      %add3A_67 = arith.addi %add3A_44, %add3A_66 : vector<16xi32>
      %add3A_68 = arith.constant 1536 : i32
      %add3A_69 = arith.addi %add3A_68, %mul3A_33 : i32
      %swap3A_70 = arith.index_cast %add3A_69 : i32 to index
      %swap3A_71 = tpu.vector_load %arg11[%swap3A_70] {strides = array<i32>} : memref<16384xi32, #tpu.memory_space<vmem>>, vector<16xi32>,
      tpu.vector_store %arg11[%swap3A_70], %add3A_67 {strides = array<i32>} : memref<16384xi32, #tpu.memory_space<vmem>>, vector<16xi32>,
      %add3A_72 = arith.constant 512 : i32
      %add3A_73 = vector.broadcast %add3A_72 : i32 to vector<16xi32>
      %add3A_74 = arith.addi %add3A_44, %add3A_73 : vector<16xi32>
      %add3A_75 = arith.constant 2048 : i32
      %add3A_76 = arith.addi %add3A_75, %mul3A_33 : i32
      %swap3A_77 = arith.index_cast %add3A_76 : i32 to index
      %swap3A_78 = tpu.vector_load %arg11[%swap3A_77] {strides = array<i32>} : memref<16384xi32, #tpu.memory_space<vmem>>, vector<16xi32>,
      tpu.vector_store %arg11[%swap3A_77], %add3A_74 {strides = array<i32>} : memref<16384xi32, #tpu.memory_space<vmem>>, vector<16xi32>,
      %add3A_79 = arith.constant 640 : i32
      %add3A_80 = vector.broadcast %add3A_79 : i32 to vector<16xi32>
      %add3A_81 = arith.addi %add3A_44, %add3A_80 : vector<16xi32>
      %add3A_82 = arith.constant 2560 : i32
      %add3A_83 = arith.addi %add3A_82, %mul3A_33 : i32
      %swap3A_84 = arith.index_cast %add3A_83 : i32 to index
      %swap3A_85 = tpu.vector_load %arg11[%swap3A_84] {strides = array<i32>} : memref<16384xi32, #tpu.memory_space<vmem>>, vector<16xi32>,
      tpu.vector_store %arg11[%swap3A_84], %add3A_81 {strides = array<i32>} : memref<16384xi32, #tpu.memory_space<vmem>>, vector<16xi32>,
      %add3A_86 = arith.constant 768 : i32
      %add3A_87 = vector.broadcast %add3A_86 : i32 to vector<16xi32>
      %add3A_88 = arith.addi %add3A_44, %add3A_87 : vector<16xi32>
      %add3A_89 = arith.constant 3072 : i32
      %add3A_90 = arith.addi %add3A_89, %mul3A_33 : i32
      %swap3A_91 = arith.index_cast %add3A_90 : i32 to index
      %swap3A_92 = tpu.vector_load %arg11[%swap3A_91] {strides = array<i32>} : memref<16384xi32, #tpu.memory_space<vmem>>, vector<16xi32>,
      tpu.vector_store %arg11[%swap3A_91], %add3A_88 {strides = array<i32>} : memref<16384xi32, #tpu.memory_space<vmem>>, vector<16xi32>,
      %add3A_93 = arith.constant 896 : i32
      %add3A_94 = vector.broadcast %add3A_93 : i32 to vector<16xi32>
      %add3A_95 = arith.addi %add3A_44, %add3A_94 : vector<16xi32>
      %add3A_96 = arith.constant 3584 : i32
      %add3A_97 = arith.addi %add3A_96, %mul3A_33 : i32
      %swap3A_98 = arith.index_cast %add3A_97 : i32 to index
      %swap3A_99 = tpu.vector_load %arg11[%swap3A_98] {strides = array<i32>} : memref<16384xi32, #tpu.memory_space<vmem>>, vector<16xi32>,
      tpu.vector_store %arg11[%swap3A_98], %add3A_95 {strides = array<i32>} : memref<16384xi32, #tpu.memory_space<vmem>>, vector<16xi32>,
      %add3A_100 = arith.constant 16000000 : i32
      %add3A_101 = vector.broadcast %add3A_100 : i32 to vector<16xi32>
      %add3A_102 = arith.addi %add3A_44, %add3A_101 : vector<16xi32>
      %add3A_103 = arith.constant 4096 : i32
      %add3A_104 = arith.addi %add3A_103, %mul3A_33 : i32
      %swap3A_105 = arith.index_cast %add3A_104 : i32 to index
      %swap3A_106 = tpu.vector_load %arg11[%swap3A_105] {strides = array<i32>} : memref<16384xi32, #tpu.memory_space<vmem>>, vector<16xi32>,
      tpu.vector_store %arg11[%swap3A_105], %add3A_102 {strides = array<i32>} : memref<16384xi32, #tpu.memory_space<vmem>>, vector<16xi32>,
      %add3A_107 = arith.constant 16000128 : i32
      %add3A_108 = vector.broadcast %add3A_107 : i32 to vector<16xi32>
      %add3A_109 = arith.addi %add3A_44, %add3A_108 : vector<16xi32>
      %add3A_110 = arith.constant 4608 : i32
      %add3A_111 = arith.addi %add3A_110, %mul3A_33 : i32
      %swap3A_112 = arith.index_cast %add3A_111 : i32 to index
      %swap3A_113 = tpu.vector_load %arg11[%swap3A_112] {strides = array<i32>} : memref<16384xi32, #tpu.memory_space<vmem>>, vector<16xi32>,
      tpu.vector_store %arg11[%swap3A_112], %add3A_109 {strides = array<i32>} : memref<16384xi32, #tpu.memory_space<vmem>>, vector<16xi32>,
      %add3A_114 = arith.constant 16000256 : i32
      %add3A_115 = vector.broadcast %add3A_114 : i32 to vector<16xi32>
      %add3A_116 = arith.addi %add3A_44, %add3A_115 : vector<16xi32>
      %add3A_117 = arith.constant 5120 : i32
      %add3A_118 = arith.addi %add3A_117, %mul3A_33 : i32
      %swap3A_119 = arith.index_cast %add3A_118 : i32 to index
      %swap3A_120 = tpu.vector_load %arg11[%swap3A_119] {strides = array<i32>} : memref<16384xi32, #tpu.memory_space<vmem>>, vector<16xi32>,
      tpu.vector_store %arg11[%swap3A_119], %add3A_116 {strides = array<i32>} : memref<16384xi32, #tpu.memory_space<vmem>>, vector<16xi32>,
      %add3A_121 = arith.constant 16000384 : i32
      %add3A_122 = vector.broadcast %add3A_121 : i32 to vector<16xi32>
      %add3A_123 = arith.addi %add3A_44, %add3A_122 : vector<16xi32>
      %add3A_124 = arith.constant 5632 : i32
      %add3A_125 = arith.addi %add3A_124, %mul3A_33 : i32
      %swap3A_126 = arith.index_cast %add3A_125 : i32 to index
      %swap3A_127 = tpu.vector_load %arg11[%swap3A_126] {strides = array<i32>} : memref<16384xi32, #tpu.memory_space<vmem>>, vector<16xi32>,
      tpu.vector_store %arg11[%swap3A_126], %add3A_123 {strides = array<i32>} : memref<16384xi32, #tpu.memory_space<vmem>>, vector<16xi32>,
      %add3A_128 = arith.constant 16000512 : i32
      %add3A_129 = vector.broadcast %add3A_128 : i32 to vector<16xi32>
      %add3A_130 = arith.addi %add3A_44, %add3A_129 : vector<16xi32>
      %add3A_131 = arith.constant 6144 : i32
      %add3A_132 = arith.addi %add3A_131, %mul3A_33 : i32
      %swap3A_133 = arith.index_cast %add3A_132 : i32 to index
      %swap3A_134 = tpu.vector_load %arg11[%swap3A_133] {strides = array<i32>} : memref<16384xi32, #tpu.memory_space<vmem>>, vector<16xi32>,
      tpu.vector_store %arg11[%swap3A_133], %add3A_130 {strides = array<i32>} : memref<16384xi32, #tpu.memory_space<vmem>>, vector<16xi32>,
      %add3A_135 = arith.constant 16000640 : i32
      %add3A_136 = vector.broadcast %add3A_135 : i32 to vector<16xi32>
      %add3A_137 = arith.addi %add3A_44, %add3A_136 : vector<16xi32>
      %add3A_138 = arith.constant 6656 : i32
      %add3A_139 = arith.addi %add3A_138, %mul3A_33 : i32
      %swap3A_140 = arith.index_cast %add3A_139 : i32 to index
      %swap3A_141 = tpu.vector_load %arg11[%swap3A_140] {strides = array<i32>} : memref<16384xi32, #tpu.memory_space<vmem>>, vector<16xi32>,
      tpu.vector_store %arg11[%swap3A_140], %add3A_137 {strides = array<i32>} : memref<16384xi32, #tpu.memory_space<vmem>>, vector<16xi32>,
      %add3A_142 = arith.constant 16000768 : i32
      %add3A_143 = vector.broadcast %add3A_142 : i32 to vector<16xi32>
      %add3A_144 = arith.addi %add3A_44, %add3A_143 : vector<16xi32>
      %add3A_145 = arith.constant 7168 : i32
      %add3A_146 = arith.addi %add3A_145, %mul3A_33 : i32
      %swap3A_147 = arith.index_cast %add3A_146 : i32 to index
      %swap3A_148 = tpu.vector_load %arg11[%swap3A_147] {strides = array<i32>} : memref<16384xi32, #tpu.memory_space<vmem>>, vector<16xi32>,
      tpu.vector_store %arg11[%swap3A_147], %add3A_144 {strides = array<i32>} : memref<16384xi32, #tpu.memory_space<vmem>>, vector<16xi32>,
      %add3A_149 = arith.constant 16000896 : i32
      %add3A_150 = vector.broadcast %add3A_149 : i32 to vector<16xi32>
      %add3A_151 = arith.addi %add3A_44, %add3A_150 : vector<16xi32>
      %add3A_152 = arith.constant 7680 : i32
      %add3A_153 = arith.addi %add3A_152, %mul3A_33 : i32
      %swap3A_154 = arith.index_cast %add3A_153 : i32 to index
      %swap3A_155 = tpu.vector_load %arg11[%swap3A_154] {strides = array<i32>} : memref<16384xi32, #tpu.memory_space<vmem>>, vector<16xi32>,
      tpu.vector_store %arg11[%swap3A_154], %add3A_151 {strides = array<i32>} : memref<16384xi32, #tpu.memory_space<vmem>>, vector<16xi32>,
      %add3A_156 = arith.constant 32000000 : i32
      %add3A_157 = vector.broadcast %add3A_156 : i32 to vector<16xi32>
      %add3A_158 = arith.addi %add3A_44, %add3A_157 : vector<16xi32>
      %add3A_159 = arith.constant 8192 : i32
      %add3A_160 = arith.addi %add3A_159, %mul3A_33 : i32
      %swap3A_161 = arith.index_cast %add3A_160 : i32 to index
      %swap3A_162 = tpu.vector_load %arg11[%swap3A_161] {strides = array<i32>} : memref<16384xi32, #tpu.memory_space<vmem>>, vector<16xi32>,
      tpu.vector_store %arg11[%swap3A_161], %add3A_158 {strides = array<i32>} : memref<16384xi32, #tpu.memory_space<vmem>>, vector<16xi32>,
      %add3A_163 = arith.constant 32000128 : i32
      %add3A_164 = vector.broadcast %add3A_163 : i32 to vector<16xi32>
      %add3A_165 = arith.addi %add3A_44, %add3A_164 : vector<16xi32>
      %add3A_166 = arith.constant 8704 : i32
      %add3A_167 = arith.addi %add3A_166, %mul3A_33 : i32
      %swap3A_168 = arith.index_cast %add3A_167 : i32 to index
      %swap3A_169 = tpu.vector_load %arg11[%swap3A_168] {strides = array<i32>} : memref<16384xi32, #tpu.memory_space<vmem>>, vector<16xi32>,
      tpu.vector_store %arg11[%swap3A_168], %add3A_165 {strides = array<i32>} : memref<16384xi32, #tpu.memory_space<vmem>>, vector<16xi32>,
      %add3A_170 = arith.constant 32000256 : i32
      %add3A_171 = vector.broadcast %add3A_170 : i32 to vector<16xi32>
      %add3A_172 = arith.addi %add3A_44, %add3A_171 : vector<16xi32>
      %add3A_173 = arith.constant 9216 : i32
      %add3A_174 = arith.addi %add3A_173, %mul3A_33 : i32
      %swap3A_175 = arith.index_cast %add3A_174 : i32 to index
      %swap3A_176 = tpu.vector_load %arg11[%swap3A_175] {strides = array<i32>} : memref<16384xi32, #tpu.memory_space<vmem>>, vector<16xi32>,
      tpu.vector_store %arg11[%swap3A_175], %add3A_172 {strides = array<i32>} : memref<16384xi32, #tpu.memory_space<vmem>>, vector<16xi32>,
      %add3A_177 = arith.constant 32000384 : i32
      %add3A_178 = vector.broadcast %add3A_177 : i32 to vector<16xi32>
      %add3A_179 = arith.addi %add3A_44, %add3A_178 : vector<16xi32>
      %add3A_180 = arith.constant 9728 : i32
      %add3A_181 = arith.addi %add3A_180, %mul3A_33 : i32
      %swap3A_182 = arith.index_cast %add3A_181 : i32 to index
      %swap3A_183 = tpu.vector_load %arg11[%swap3A_182] {strides = array<i32>} : memref<16384xi32, #tpu.memory_space<vmem>>, vector<16xi32>,
      tpu.vector_store %arg11[%swap3A_182], %add3A_179 {strides = array<i32>} : memref<16384xi32, #tpu.memory_space<vmem>>, vector<16xi32>,
      %add3A_184 = arith.constant 32000512 : i32
      %add3A_185 = vector.broadcast %add3A_184 : i32 to vector<16xi32>
      %add3A_186 = arith.addi %add3A_44, %add3A_185 : vector<16xi32>
      %add3A_187 = arith.constant 10240 : i32
      %add3A_188 = arith.addi %add3A_187, %mul3A_33 : i32
      %swap3A_189 = arith.index_cast %add3A_188 : i32 to index
      %swap3A_190 = tpu.vector_load %arg11[%swap3A_189] {strides = array<i32>} : memref<16384xi32, #tpu.memory_space<vmem>>, vector<16xi32>,
      tpu.vector_store %arg11[%swap3A_189], %add3A_186 {strides = array<i32>} : memref<16384xi32, #tpu.memory_space<vmem>>, vector<16xi32>,
      %add3A_191 = arith.constant 32000640 : i32
      %add3A_192 = vector.broadcast %add3A_191 : i32 to vector<16xi32>
      %add3A_193 = arith.addi %add3A_44, %add3A_192 : vector<16xi32>
      %add3A_194 = arith.constant 10752 : i32
      %add3A_195 = arith.addi %add3A_194, %mul3A_33 : i32
      %swap3A_196 = arith.index_cast %add3A_195 : i32 to index
      %swap3A_197 = tpu.vector_load %arg11[%swap3A_196] {strides = array<i32>} : memref<16384xi32, #tpu.memory_space<vmem>>, vector<16xi32>,
      tpu.vector_store %arg11[%swap3A_196], %add3A_193 {strides = array<i32>} : memref<16384xi32, #tpu.memory_space<vmem>>, vector<16xi32>,
      %add3A_198 = arith.constant 32000768 : i32
      %add3A_199 = vector.broadcast %add3A_198 : i32 to vector<16xi32>
      %add3A_200 = arith.addi %add3A_44, %add3A_199 : vector<16xi32>
      %add3A_201 = arith.constant 11264 : i32
      %add3A_202 = arith.addi %add3A_201, %mul3A_33 : i32
      %swap3A_203 = arith.index_cast %add3A_202 : i32 to index
      %swap3A_204 = tpu.vector_load %arg11[%swap3A_203] {strides = array<i32>} : memref<16384xi32, #tpu.memory_space<vmem>>, vector<16xi32>,
      tpu.vector_store %arg11[%swap3A_203], %add3A_200 {strides = array<i32>} : memref<16384xi32, #tpu.memory_space<vmem>>, vector<16xi32>,
      %add3A_205 = arith.constant 32000896 : i32
      %add3A_206 = vector.broadcast %add3A_205 : i32 to vector<16xi32>
      %add3A_207 = arith.addi %add3A_44, %add3A_206 : vector<16xi32>
      %add3A_208 = arith.constant 11776 : i32
      %add3A_209 = arith.addi %add3A_208, %mul3A_33 : i32
      %swap3A_210 = arith.index_cast %add3A_209 : i32 to index
      %swap3A_211 = tpu.vector_load %arg11[%swap3A_210] {strides = array<i32>} : memref<16384xi32, #tpu.memory_space<vmem>>, vector<16xi32>,
      tpu.vector_store %arg11[%swap3A_210], %add3A_207 {strides = array<i32>} : memref<16384xi32, #tpu.memory_space<vmem>>, vector<16xi32>,
      %add3A_212 = arith.constant 48000000 : i32
      %add3A_213 = vector.broadcast %add3A_212 : i32 to vector<16xi32>
      %add3A_214 = arith.addi %add3A_44, %add3A_213 : vector<16xi32>
      %add3A_215 = arith.constant 12288 : i32
      %add3A_216 = arith.addi %add3A_215, %mul3A_33 : i32
      %swap3A_217 = arith.index_cast %add3A_216 : i32 to index
      %swap3A_218 = tpu.vector_load %arg11[%swap3A_217] {strides = array<i32>} : memref<16384xi32, #tpu.memory_space<vmem>>, vector<16xi32>,
      tpu.vector_store %arg11[%swap3A_217], %add3A_214 {strides = array<i32>} : memref<16384xi32, #tpu.memory_space<vmem>>, vector<16xi32>,
      %add3A_219 = arith.constant 48000128 : i32
      %add3A_220 = vector.broadcast %add3A_219 : i32 to vector<16xi32>
      %add3A_221 = arith.addi %add3A_44, %add3A_220 : vector<16xi32>
      %add3A_222 = arith.constant 12800 : i32
      %add3A_223 = arith.addi %add3A_222, %mul3A_33 : i32
      %swap3A_224 = arith.index_cast %add3A_223 : i32 to index
      %swap3A_225 = tpu.vector_load %arg11[%swap3A_224] {strides = array<i32>} : memref<16384xi32, #tpu.memory_space<vmem>>, vector<16xi32>,
      tpu.vector_store %arg11[%swap3A_224], %add3A_221 {strides = array<i32>} : memref<16384xi32, #tpu.memory_space<vmem>>, vector<16xi32>,
      %add3A_226 = arith.constant 48000256 : i32
      %add3A_227 = vector.broadcast %add3A_226 : i32 to vector<16xi32>
      %add3A_228 = arith.addi %add3A_44, %add3A_227 : vector<16xi32>
      %add3A_229 = arith.constant 13312 : i32
      %add3A_230 = arith.addi %add3A_229, %mul3A_33 : i32
      %swap3A_231 = arith.index_cast %add3A_230 : i32 to index
      %swap3A_232 = tpu.vector_load %arg11[%swap3A_231] {strides = array<i32>} : memref<16384xi32, #tpu.memory_space<vmem>>, vector<16xi32>,
      tpu.vector_store %arg11[%swap3A_231], %add3A_228 {strides = array<i32>} : memref<16384xi32, #tpu.memory_space<vmem>>, vector<16xi32>,
      %add3A_233 = arith.constant 48000384 : i32
      %add3A_234 = vector.broadcast %add3A_233 : i32 to vector<16xi32>
      %add3A_235 = arith.addi %add3A_44, %add3A_234 : vector<16xi32>
      %add3A_236 = arith.constant 13824 : i32
      %add3A_237 = arith.addi %add3A_236, %mul3A_33 : i32
      %swap3A_238 = arith.index_cast %add3A_237 : i32 to index
      %swap3A_239 = tpu.vector_load %arg11[%swap3A_238] {strides = array<i32>} : memref<16384xi32, #tpu.memory_space<vmem>>, vector<16xi32>,
      tpu.vector_store %arg11[%swap3A_238], %add3A_235 {strides = array<i32>} : memref<16384xi32, #tpu.memory_space<vmem>>, vector<16xi32>,
      %add3A_240 = arith.constant 48000512 : i32
      %add3A_241 = vector.broadcast %add3A_240 : i32 to vector<16xi32>
      %add3A_242 = arith.addi %add3A_44, %add3A_241 : vector<16xi32>
      %add3A_243 = arith.constant 14336 : i32
      %add3A_244 = arith.addi %add3A_243, %mul3A_33 : i32
      %swap3A_245 = arith.index_cast %add3A_244 : i32 to index
      %swap3A_246 = tpu.vector_load %arg11[%swap3A_245] {strides = array<i32>} : memref<16384xi32, #tpu.memory_space<vmem>>, vector<16xi32>,
      tpu.vector_store %arg11[%swap3A_245], %add3A_242 {strides = array<i32>} : memref<16384xi32, #tpu.memory_space<vmem>>, vector<16xi32>,
      %add3A_247 = arith.constant 48000640 : i32
      %add3A_248 = vector.broadcast %add3A_247 : i32 to vector<16xi32>
      %add3A_249 = arith.addi %add3A_44, %add3A_248 : vector<16xi32>
      %add3A_250 = arith.constant 14848 : i32
      %add3A_251 = arith.addi %add3A_250, %mul3A_33 : i32
      %swap3A_252 = arith.index_cast %add3A_251 : i32 to index
      %swap3A_253 = tpu.vector_load %arg11[%swap3A_252] {strides = array<i32>} : memref<16384xi32, #tpu.memory_space<vmem>>, vector<16xi32>,
      tpu.vector_store %arg11[%swap3A_252], %add3A_249 {strides = array<i32>} : memref<16384xi32, #tpu.memory_space<vmem>>, vector<16xi32>,
      %add3A_254 = arith.constant 48000768 : i32
      %add3A_255 = vector.broadcast %add3A_254 : i32 to vector<16xi32>
      %add3A_256 = arith.addi %add3A_44, %add3A_255 : vector<16xi32>
      %add3A_257 = arith.constant 15360 : i32
      %add3A_258 = arith.addi %add3A_257, %mul3A_33 : i32
      %swap3A_259 = arith.index_cast %add3A_258 : i32 to index
      %swap3A_260 = tpu.vector_load %arg11[%swap3A_259] {strides = array<i32>} : memref<16384xi32, #tpu.memory_space<vmem>>, vector<16xi32>,
      tpu.vector_store %arg11[%swap3A_259], %add3A_256 {strides = array<i32>} : memref<16384xi32, #tpu.memory_space<vmem>>, vector<16xi32>,
      %add3A_261 = arith.constant 48000896 : i32
      %add3A_262 = vector.broadcast %add3A_261 : i32 to vector<16xi32>
      %add3A_263 = arith.addi %add3A_44, %add3A_262 : vector<16xi32>
      %add3A_264 = arith.constant 15872 : i32
      %add3A_265 = arith.addi %add3A_264, %mul3A_33 : i32
      %swap3A_266 = arith.index_cast %add3A_265 : i32 to index
      %swap3A_267 = tpu.vector_load %arg11[%swap3A_266] {strides = array<i32>} : memref<16384xi32, #tpu.memory_space<vmem>>, vector<16xi32>,
      tpu.vector_store %arg11[%swap3A_266], %add3A_263 {strides = array<i32>} : memref<16384xi32, #tpu.memory_space<vmem>>, vector<16xi32>,
    }
    %scan3A_14 = arith.constant 32 : i32
    %dma_start3A_15 = arith.constant 0 : i32
    %dma_start3A_16 = tpu.memref_slice %arg4[%dma_start3A_15] : memref<64000000xf32, #tpu.memory_space<hbm>> -> memref<64000000xf32, #tpu.memory_space<hbm>>
    tpu.enqueue_indirect_dma source(%dma_start3A_16 : memref<64000000xf32, #tpu.memory_space<hbm>>) target(%arg13 : memref<16384xf32, #tpu.memory_space<vmem>>) offsets(%arg11 : memref<16384xi32, #tpu.memory_space<vmem>>) semaphore(%arg18 : memref<!tpu.dma_semaphore, #tpu.memory_space<semaphore_mem>>)
    %dma_wait3A = arith.constant 0 : i32
    %dma_wait3A_17 = tpu.memref_slice %arg4[%dma_wait3A] : memref<64000000xf32, #tpu.memory_space<hbm>> -> memref<64000000xf32, #tpu.memory_space<hbm>>
    tpu.wait_indirect_dma semaphore(%arg17 : memref<!tpu.dma_semaphore, #tpu.memory_space<semaphore_mem>>) src(%dma_wait3A_17 : memref<64000000xf32, #tpu.memory_space<hbm>>) dst(%arg12 : memref<16384xf32, #tpu.memory_space<vmem>>)
    %dma_wait3A_18 = arith.constant 0 : i32
    %dma_wait3A_19 = tpu.memref_slice %arg4[%dma_wait3A_18] : memref<64000000xf32, #tpu.memory_space<hbm>> -> memref<64000000xf32, #tpu.memory_space<hbm>>
    tpu.wait_indirect_dma semaphore(%arg18 : memref<!tpu.dma_semaphore, #tpu.memory_space<semaphore_mem>>) src(%dma_wait3A_19 : memref<64000000xf32, #tpu.memory_space<hbm>>) dst(%arg13 : memref<16384xf32, #tpu.memory_space<vmem>>)
    %get3A = arith.constant 0 : index
    %get3A_20 = tpu.vector_load %arg14[%get3A] {strides = array<i32>} : memref<32xf32, #tpu.memory_space<vmem>>, vector<16xf32>,
    %get3A_21 = arith.constant 16 : index
    %get3A_22 = tpu.vector_load %arg14[%get3A_21] {strides = array<i32>} : memref<32xf32, #tpu.memory_space<vmem>>, vector<16xf32>,
    %get3A_23 = arith.constant 0 : index
    %get3A_24 = tpu.vector_load %arg15[%get3A_23] {strides = array<i32>} : memref<16xf32, #tpu.memory_space<vmem>>, vector<16xf32>,
    %scan3A_25 = arith.constant 0 : i32
    %scan3A_26 = arith.constant 0 : i32
    %scan3A_27 = arith.constant 32 : i32
    %scan3A_28 = arith.addi %scan3A_26, %scan3A_27 : i32
    %scan3A_29 = arith.constant 1 : i32
    scf.for %scan3A_31 = %scan3A_26 to %scan3A_28 step %scan3A_29  : i32 {
      %mul3A_32 = arith.constant 16 : i32
      %mul3A_33 = arith.muli %scan3A_31, %mul3A_32 : i32
      %slice3A = vector.extract_strided_slice %get3A_20 {offsets = [0], sizes = [1], strides = [1]} : vector<16xf32> to vector<1xf32>
      %squeeze3A = vector.extract %slice3A[0] : f32 from vector<1xf32>
      %add3A_34 = arith.constant 0 : i32
      %add3A_35 = arith.addi %add3A_34, %mul3A_33 : i32
      %get3A_36 = arith.index_cast %add3A_35 : i32 to index
      %get3A_37 = tpu.vector_load %arg12[%get3A_36] {strides = array<i32>} : memref<16384xf32, #tpu.memory_space<vmem>>, vector<16xf32>,
      %add3A_38 = arith.constant 0 : i32
      %add3A_39 = arith.addi %add3A_38, %mul3A_33 : i32
      %get3A_40 = arith.index_cast %add3A_39 : i32 to index
      %get3A_41 = tpu.vector_load %arg13[%get3A_40] {strides = array<i32>} : memref<16384xf32, #tpu.memory_space<vmem>>, vector<16xf32>,
      %mul3A_42 = arith.mulf %get3A_37, %get3A_41 : vector<16xf32>
      %mul3A_43 = vector.broadcast %squeeze3A : f32 to vector<16xf32>
      %mul3A_44 = arith.mulf %mul3A_42, %mul3A_43 : vector<16xf32>
      %add3A_45 = arith.addf %get3A_24, %mul3A_44 : vector<16xf32>
      %slice3A_46 = vector.extract_strided_slice %get3A_20 {offsets = [1], sizes = [1], strides = [1]} : vector<16xf32> to vector<1xf32>
      %squeeze3A_47 = vector.extract %slice3A_46[0] : f32 from vector<1xf32>
      %add3A_48 = arith.constant 512 : i32
      %add3A_49 = arith.addi %add3A_48, %mul3A_33 : i32
      %get3A_50 = arith.index_cast %add3A_49 : i32 to index
      %get3A_51 = tpu.vector_load %arg12[%get3A_50] {strides = array<i32>} : memref<16384xf32, #tpu.memory_space<vmem>>, vector<16xf32>,
      %add3A_52 = arith.constant 512 : i32
      %add3A_53 = arith.addi %add3A_52, %mul3A_33 : i32
      %get3A_54 = arith.index_cast %add3A_53 : i32 to index
      %get3A_55 = tpu.vector_load %arg13[%get3A_54] {strides = array<i32>} : memref<16384xf32, #tpu.memory_space<vmem>>, vector<16xf32>,
      %mul3A_56 = arith.mulf %get3A_51, %get3A_55 : vector<16xf32>
      %mul3A_57 = vector.broadcast %squeeze3A_47 : f32 to vector<16xf32>
      %mul3A_58 = arith.mulf %mul3A_56, %mul3A_57 : vector<16xf32>
      %add3A_59 = arith.addf %add3A_45, %mul3A_58 : vector<16xf32>
      %slice3A_60 = vector.extract_strided_slice %get3A_20 {offsets = [2], sizes = [1], strides = [1]} : vector<16xf32> to vector<1xf32>
      %squeeze3A_61 = vector.extract %slice3A_60[0] : f32 from vector<1xf32>
      %add3A_62 = arith.constant 1024 : i32
      %add3A_63 = arith.addi %add3A_62, %mul3A_33 : i32
      %get3A_64 = arith.index_cast %add3A_63 : i32 to index
      %get3A_65 = tpu.vector_load %arg12[%get3A_64] {strides = array<i32>} : memref<16384xf32, #tpu.memory_space<vmem>>, vector<16xf32>,
      %add3A_66 = arith.constant 1024 : i32
      %add3A_67 = arith.addi %add3A_66, %mul3A_33 : i32
      %get3A_68 = arith.index_cast %add3A_67 : i32 to index
      %get3A_69 = tpu.vector_load %arg13[%get3A_68] {strides = array<i32>} : memref<16384xf32, #tpu.memory_space<vmem>>, vector<16xf32>,
      %mul3A_70 = arith.mulf %get3A_65, %get3A_69 : vector<16xf32>
      %mul3A_71 = vector.broadcast %squeeze3A_61 : f32 to vector<16xf32>
      %mul3A_72 = arith.mulf %mul3A_70, %mul3A_71 : vector<16xf32>
      %add3A_73 = arith.addf %add3A_59, %mul3A_72 : vector<16xf32>
      %slice3A_74 = vector.extract_strided_slice %get3A_20 {offsets = [3], sizes = [1], strides = [1]} : vector<16xf32> to vector<1xf32>
      %squeeze3A_75 = vector.extract %slice3A_74[0] : f32 from vector<1xf32>
      %add3A_76 = arith.constant 1536 : i32
      %add3A_77 = arith.addi %add3A_76, %mul3A_33 : i32
      %get3A_78 = arith.index_cast %add3A_77 : i32 to index
      %get3A_79 = tpu.vector_load %arg12[%get3A_78] {strides = array<i32>} : memref<16384xf32, #tpu.memory_space<vmem>>, vector<16xf32>,
      %add3A_80 = arith.constant 1536 : i32
      %add3A_81 = arith.addi %add3A_80, %mul3A_33 : i32
      %get3A_82 = arith.index_cast %add3A_81 : i32 to index
      %get3A_83 = tpu.vector_load %arg13[%get3A_82] {strides = array<i32>} : memref<16384xf32, #tpu.memory_space<vmem>>, vector<16xf32>,
      %mul3A_84 = arith.mulf %get3A_79, %get3A_83 : vector<16xf32>
      %mul3A_85 = vector.broadcast %squeeze3A_75 : f32 to vector<16xf32>
      %mul3A_86 = arith.mulf %mul3A_84, %mul3A_85 : vector<16xf32>
      %add3A_87 = arith.addf %add3A_73, %mul3A_86 : vector<16xf32>
      %slice3A_88 = vector.extract_strided_slice %get3A_20 {offsets = [4], sizes = [1], strides = [1]} : vector<16xf32> to vector<1xf32>
      %squeeze3A_89 = vector.extract %slice3A_88[0] : f32 from vector<1xf32>
      %add3A_90 = arith.constant 2048 : i32
      %add3A_91 = arith.addi %add3A_90, %mul3A_33 : i32
      %get3A_92 = arith.index_cast %add3A_91 : i32 to index
      %get3A_93 = tpu.vector_load %arg12[%get3A_92] {strides = array<i32>} : memref<16384xf32, #tpu.memory_space<vmem>>, vector<16xf32>,
      %add3A_94 = arith.constant 2048 : i32
      %add3A_95 = arith.addi %add3A_94, %mul3A_33 : i32
      %get3A_96 = arith.index_cast %add3A_95 : i32 to index
      %get3A_97 = tpu.vector_load %arg13[%get3A_96] {strides = array<i32>} : memref<16384xf32, #tpu.memory_space<vmem>>, vector<16xf32>,
      %mul3A_98 = arith.mulf %get3A_93, %get3A_97 : vector<16xf32>
      %mul3A_99 = vector.broadcast %squeeze3A_89 : f32 to vector<16xf32>
      %mul3A_100 = arith.mulf %mul3A_98, %mul3A_99 : vector<16xf32>
      %add3A_101 = arith.addf %add3A_87, %mul3A_100 : vector<16xf32>
      %slice3A_102 = vector.extract_strided_slice %get3A_20 {offsets = [5], sizes = [1], strides = [1]} : vector<16xf32> to vector<1xf32>
      %squeeze3A_103 = vector.extract %slice3A_102[0] : f32 from vector<1xf32>
      %add3A_104 = arith.constant 2560 : i32
      %add3A_105 = arith.addi %add3A_104, %mul3A_33 : i32
      %get3A_106 = arith.index_cast %add3A_105 : i32 to index
      %get3A_107 = tpu.vector_load %arg12[%get3A_106] {strides = array<i32>} : memref<16384xf32, #tpu.memory_space<vmem>>, vector<16xf32>,
      %add3A_108 = arith.constant 2560 : i32
      %add3A_109 = arith.addi %add3A_108, %mul3A_33 : i32
      %get3A_110 = arith.index_cast %add3A_109 : i32 to index
      %get3A_111 = tpu.vector_load %arg13[%get3A_110] {strides = array<i32>} : memref<16384xf32, #tpu.memory_space<vmem>>, vector<16xf32>,
      %mul3A_112 = arith.mulf %get3A_107, %get3A_111 : vector<16xf32>
      %mul3A_113 = vector.broadcast %squeeze3A_103 : f32 to vector<16xf32>
      %mul3A_114 = arith.mulf %mul3A_112, %mul3A_113 : vector<16xf32>
      %add3A_115 = arith.addf %add3A_101, %mul3A_114 : vector<16xf32>
      %slice3A_116 = vector.extract_strided_slice %get3A_20 {offsets = [6], sizes = [1], strides = [1]} : vector<16xf32> to vector<1xf32>
      %squeeze3A_117 = vector.extract %slice3A_116[0] : f32 from vector<1xf32>
      %add3A_118 = arith.constant 3072 : i32
      %add3A_119 = arith.addi %add3A_118, %mul3A_33 : i32
      %get3A_120 = arith.index_cast %add3A_119 : i32 to index
      %get3A_121 = tpu.vector_load %arg12[%get3A_120] {strides = array<i32>} : memref<16384xf32, #tpu.memory_space<vmem>>, vector<16xf32>,
      %add3A_122 = arith.constant 3072 : i32
      %add3A_123 = arith.addi %add3A_122, %mul3A_33 : i32
      %get3A_124 = arith.index_cast %add3A_123 : i32 to index
      %get3A_125 = tpu.vector_load %arg13[%get3A_124] {strides = array<i32>} : memref<16384xf32, #tpu.memory_space<vmem>>, vector<16xf32>,
      %mul3A_126 = arith.mulf %get3A_121, %get3A_125 : vector<16xf32>
      %mul3A_127 = vector.broadcast %squeeze3A_117 : f32 to vector<16xf32>
      %mul3A_128 = arith.mulf %mul3A_126, %mul3A_127 : vector<16xf32>
      %add3A_129 = arith.addf %add3A_115, %mul3A_128 : vector<16xf32>
      %slice3A_130 = vector.extract_strided_slice %get3A_20 {offsets = [7], sizes = [1], strides = [1]} : vector<16xf32> to vector<1xf32>
      %squeeze3A_131 = vector.extract %slice3A_130[0] : f32 from vector<1xf32>
      %add3A_132 = arith.constant 3584 : i32
      %add3A_133 = arith.addi %add3A_132, %mul3A_33 : i32
      %get3A_134 = arith.index_cast %add3A_133 : i32 to index
      %get3A_135 = tpu.vector_load %arg12[%get3A_134] {strides = array<i32>} : memref<16384xf32, #tpu.memory_space<vmem>>, vector<16xf32>,
      %add3A_136 = arith.constant 3584 : i32
      %add3A_137 = arith.addi %add3A_136, %mul3A_33 : i32
      %get3A_138 = arith.index_cast %add3A_137 : i32 to index
      %get3A_139 = tpu.vector_load %arg13[%get3A_138] {strides = array<i32>} : memref<16384xf32, #tpu.memory_space<vmem>>, vector<16xf32>,
      %mul3A_140 = arith.mulf %get3A_135, %get3A_139 : vector<16xf32>
      %mul3A_141 = vector.broadcast %squeeze3A_131 : f32 to vector<16xf32>
      %mul3A_142 = arith.mulf %mul3A_140, %mul3A_141 : vector<16xf32>
      %add3A_143 = arith.addf %add3A_129, %mul3A_142 : vector<16xf32>
      %slice3A_144 = vector.extract_strided_slice %get3A_20 {offsets = [8], sizes = [1], strides = [1]} : vector<16xf32> to vector<1xf32>
      %squeeze3A_145 = vector.extract %slice3A_144[0] : f32 from vector<1xf32>
      %add3A_146 = arith.constant 4096 : i32
      %add3A_147 = arith.addi %add3A_146, %mul3A_33 : i32
      %get3A_148 = arith.index_cast %add3A_147 : i32 to index
      %get3A_149 = tpu.vector_load %arg12[%get3A_148] {strides = array<i32>} : memref<16384xf32, #tpu.memory_space<vmem>>, vector<16xf32>,
      %add3A_150 = arith.constant 4096 : i32
      %add3A_151 = arith.addi %add3A_150, %mul3A_33 : i32
      %get3A_152 = arith.index_cast %add3A_151 : i32 to index
      %get3A_153 = tpu.vector_load %arg13[%get3A_152] {strides = array<i32>} : memref<16384xf32, #tpu.memory_space<vmem>>, vector<16xf32>,
      %mul3A_154 = arith.mulf %get3A_149, %get3A_153 : vector<16xf32>
      %mul3A_155 = vector.broadcast %squeeze3A_145 : f32 to vector<16xf32>
      %mul3A_156 = arith.mulf %mul3A_154, %mul3A_155 : vector<16xf32>
      %add3A_157 = arith.addf %add3A_143, %mul3A_156 : vector<16xf32>
      %slice3A_158 = vector.extract_strided_slice %get3A_20 {offsets = [9], sizes = [1], strides = [1]} : vector<16xf32> to vector<1xf32>
      %squeeze3A_159 = vector.extract %slice3A_158[0] : f32 from vector<1xf32>
      %add3A_160 = arith.constant 4608 : i32
      %add3A_161 = arith.addi %add3A_160, %mul3A_33 : i32
      %get3A_162 = arith.index_cast %add3A_161 : i32 to index
      %get3A_163 = tpu.vector_load %arg12[%get3A_162] {strides = array<i32>} : memref<16384xf32, #tpu.memory_space<vmem>>, vector<16xf32>,
      %add3A_164 = arith.constant 4608 : i32
      %add3A_165 = arith.addi %add3A_164, %mul3A_33 : i32
      %get3A_166 = arith.index_cast %add3A_165 : i32 to index
      %get3A_167 = tpu.vector_load %arg13[%get3A_166] {strides = array<i32>} : memref<16384xf32, #tpu.memory_space<vmem>>, vector<16xf32>,
      %mul3A_168 = arith.mulf %get3A_163, %get3A_167 : vector<16xf32>
      %mul3A_169 = vector.broadcast %squeeze3A_159 : f32 to vector<16xf32>
      %mul3A_170 = arith.mulf %mul3A_168, %mul3A_169 : vector<16xf32>
      %add3A_171 = arith.addf %add3A_157, %mul3A_170 : vector<16xf32>
      %slice3A_172 = vector.extract_strided_slice %get3A_20 {offsets = [10], sizes = [1], strides = [1]} : vector<16xf32> to vector<1xf32>
      %squeeze3A_173 = vector.extract %slice3A_172[0] : f32 from vector<1xf32>
      %add3A_174 = arith.constant 5120 : i32
      %add3A_175 = arith.addi %add3A_174, %mul3A_33 : i32
      %get3A_176 = arith.index_cast %add3A_175 : i32 to index
      %get3A_177 = tpu.vector_load %arg12[%get3A_176] {strides = array<i32>} : memref<16384xf32, #tpu.memory_space<vmem>>, vector<16xf32>,
      %add3A_178 = arith.constant 5120 : i32
      %add3A_179 = arith.addi %add3A_178, %mul3A_33 : i32
      %get3A_180 = arith.index_cast %add3A_179 : i32 to index
      %get3A_181 = tpu.vector_load %arg13[%get3A_180] {strides = array<i32>} : memref<16384xf32, #tpu.memory_space<vmem>>, vector<16xf32>,
      %mul3A_182 = arith.mulf %get3A_177, %get3A_181 : vector<16xf32>
      %mul3A_183 = vector.broadcast %squeeze3A_173 : f32 to vector<16xf32>
      %mul3A_184 = arith.mulf %mul3A_182, %mul3A_183 : vector<16xf32>
      %add3A_185 = arith.addf %add3A_171, %mul3A_184 : vector<16xf32>
      %slice3A_186 = vector.extract_strided_slice %get3A_20 {offsets = [11], sizes = [1], strides = [1]} : vector<16xf32> to vector<1xf32>
      %squeeze3A_187 = vector.extract %slice3A_186[0] : f32 from vector<1xf32>
      %add3A_188 = arith.constant 5632 : i32
      %add3A_189 = arith.addi %add3A_188, %mul3A_33 : i32
      %get3A_190 = arith.index_cast %add3A_189 : i32 to index
      %get3A_191 = tpu.vector_load %arg12[%get3A_190] {strides = array<i32>} : memref<16384xf32, #tpu.memory_space<vmem>>, vector<16xf32>,
      %add3A_192 = arith.constant 5632 : i32
      %add3A_193 = arith.addi %add3A_192, %mul3A_33 : i32
      %get3A_194 = arith.index_cast %add3A_193 : i32 to index
      %get3A_195 = tpu.vector_load %arg13[%get3A_194] {strides = array<i32>} : memref<16384xf32, #tpu.memory_space<vmem>>, vector<16xf32>,
      %mul3A_196 = arith.mulf %get3A_191, %get3A_195 : vector<16xf32>
      %mul3A_197 = vector.broadcast %squeeze3A_187 : f32 to vector<16xf32>
      %mul3A_198 = arith.mulf %mul3A_196, %mul3A_197 : vector<16xf32>
      %add3A_199 = arith.addf %add3A_185, %mul3A_198 : vector<16xf32>
      %slice3A_200 = vector.extract_strided_slice %get3A_20 {offsets = [12], sizes = [1], strides = [1]} : vector<16xf32> to vector<1xf32>
      %squeeze3A_201 = vector.extract %slice3A_200[0] : f32 from vector<1xf32>
      %add3A_202 = arith.constant 6144 : i32
      %add3A_203 = arith.addi %add3A_202, %mul3A_33 : i32
      %get3A_204 = arith.index_cast %add3A_203 : i32 to index
      %get3A_205 = tpu.vector_load %arg12[%get3A_204] {strides = array<i32>} : memref<16384xf32, #tpu.memory_space<vmem>>, vector<16xf32>,
      %add3A_206 = arith.constant 6144 : i32
      %add3A_207 = arith.addi %add3A_206, %mul3A_33 : i32
      %get3A_208 = arith.index_cast %add3A_207 : i32 to index
      %get3A_209 = tpu.vector_load %arg13[%get3A_208] {strides = array<i32>} : memref<16384xf32, #tpu.memory_space<vmem>>, vector<16xf32>,
      %mul3A_210 = arith.mulf %get3A_205, %get3A_209 : vector<16xf32>
      %mul3A_211 = vector.broadcast %squeeze3A_201 : f32 to vector<16xf32>
      %mul3A_212 = arith.mulf %mul3A_210, %mul3A_211 : vector<16xf32>
      %add3A_213 = arith.addf %add3A_199, %mul3A_212 : vector<16xf32>
      %slice3A_214 = vector.extract_strided_slice %get3A_20 {offsets = [13], sizes = [1], strides = [1]} : vector<16xf32> to vector<1xf32>
      %squeeze3A_215 = vector.extract %slice3A_214[0] : f32 from vector<1xf32>
      %add3A_216 = arith.constant 6656 : i32
      %add3A_217 = arith.addi %add3A_216, %mul3A_33 : i32
      %get3A_218 = arith.index_cast %add3A_217 : i32 to index
      %get3A_219 = tpu.vector_load %arg12[%get3A_218] {strides = array<i32>} : memref<16384xf32, #tpu.memory_space<vmem>>, vector<16xf32>,
      %add3A_220 = arith.constant 6656 : i32
      %add3A_221 = arith.addi %add3A_220, %mul3A_33 : i32
      %get3A_222 = arith.index_cast %add3A_221 : i32 to index
      %get3A_223 = tpu.vector_load %arg13[%get3A_222] {strides = array<i32>} : memref<16384xf32, #tpu.memory_space<vmem>>, vector<16xf32>,
      %mul3A_224 = arith.mulf %get3A_219, %get3A_223 : vector<16xf32>
      %mul3A_225 = vector.broadcast %squeeze3A_215 : f32 to vector<16xf32>
      %mul3A_226 = arith.mulf %mul3A_224, %mul3A_225 : vector<16xf32>
      %add3A_227 = arith.addf %add3A_213, %mul3A_226 : vector<16xf32>
      %slice3A_228 = vector.extract_strided_slice %get3A_20 {offsets = [14], sizes = [1], strides = [1]} : vector<16xf32> to vector<1xf32>
      %squeeze3A_229 = vector.extract %slice3A_228[0] : f32 from vector<1xf32>
      %add3A_230 = arith.constant 7168 : i32
      %add3A_231 = arith.addi %add3A_230, %mul3A_33 : i32
      %get3A_232 = arith.index_cast %add3A_231 : i32 to index
      %get3A_233 = tpu.vector_load %arg12[%get3A_232] {strides = array<i32>} : memref<16384xf32, #tpu.memory_space<vmem>>, vector<16xf32>,
      %add3A_234 = arith.constant 7168 : i32
      %add3A_235 = arith.addi %add3A_234, %mul3A_33 : i32
      %get3A_236 = arith.index_cast %add3A_235 : i32 to index
      %get3A_237 = tpu.vector_load %arg13[%get3A_236] {strides = array<i32>} : memref<16384xf32, #tpu.memory_space<vmem>>, vector<16xf32>,
      %mul3A_238 = arith.mulf %get3A_233, %get3A_237 : vector<16xf32>
      %mul3A_239 = vector.broadcast %squeeze3A_229 : f32 to vector<16xf32>
      %mul3A_240 = arith.mulf %mul3A_238, %mul3A_239 : vector<16xf32>
      %add3A_241 = arith.addf %add3A_227, %mul3A_240 : vector<16xf32>
      %slice3A_242 = vector.extract_strided_slice %get3A_20 {offsets = [15], sizes = [1], strides = [1]} : vector<16xf32> to vector<1xf32>
      %squeeze3A_243 = vector.extract %slice3A_242[0] : f32 from vector<1xf32>
      %add3A_244 = arith.constant 7680 : i32
      %add3A_245 = arith.addi %add3A_244, %mul3A_33 : i32
      %get3A_246 = arith.index_cast %add3A_245 : i32 to index
      %get3A_247 = tpu.vector_load %arg12[%get3A_246] {strides = array<i32>} : memref<16384xf32, #tpu.memory_space<vmem>>, vector<16xf32>,
      %add3A_248 = arith.constant 7680 : i32
      %add3A_249 = arith.addi %add3A_248, %mul3A_33 : i32
      %get3A_250 = arith.index_cast %add3A_249 : i32 to index
      %get3A_251 = tpu.vector_load %arg13[%get3A_250] {strides = array<i32>} : memref<16384xf32, #tpu.memory_space<vmem>>, vector<16xf32>,
      %mul3A_252 = arith.mulf %get3A_247, %get3A_251 : vector<16xf32>
      %mul3A_253 = vector.broadcast %squeeze3A_243 : f32 to vector<16xf32>
      %mul3A_254 = arith.mulf %mul3A_252, %mul3A_253 : vector<16xf32>
      %add3A_255 = arith.addf %add3A_241, %mul3A_254 : vector<16xf32>
      %slice3A_256 = vector.extract_strided_slice %get3A_22 {offsets = [0], sizes = [1], strides = [1]} : vector<16xf32> to vector<1xf32>
      %squeeze3A_257 = vector.extract %slice3A_256[0] : f32 from vector<1xf32>
      %add3A_258 = arith.constant 8192 : i32
      %add3A_259 = arith.addi %add3A_258, %mul3A_33 : i32
      %get3A_260 = arith.index_cast %add3A_259 : i32 to index
      %get3A_261 = tpu.vector_load %arg12[%get3A_260] {strides = array<i32>} : memref<16384xf32, #tpu.memory_space<vmem>>, vector<16xf32>,
      %add3A_262 = arith.constant 8192 : i32
      %add3A_263 = arith.addi %add3A_262, %mul3A_33 : i32
      %get3A_264 = arith.index_cast %add3A_263 : i32 to index
      %get3A_265 = tpu.vector_load %arg13[%get3A_264] {strides = array<i32>} : memref<16384xf32, #tpu.memory_space<vmem>>, vector<16xf32>,
      %mul3A_266 = arith.mulf %get3A_261, %get3A_265 : vector<16xf32>
      %mul3A_267 = vector.broadcast %squeeze3A_257 : f32 to vector<16xf32>
      %mul3A_268 = arith.mulf %mul3A_266, %mul3A_267 : vector<16xf32>
      %add3A_269 = arith.addf %add3A_255, %mul3A_268 : vector<16xf32>
      %slice3A_270 = vector.extract_strided_slice %get3A_22 {offsets = [1], sizes = [1], strides = [1]} : vector<16xf32> to vector<1xf32>
      %squeeze3A_271 = vector.extract %slice3A_270[0] : f32 from vector<1xf32>
      %add3A_272 = arith.constant 8704 : i32
      %add3A_273 = arith.addi %add3A_272, %mul3A_33 : i32
      %get3A_274 = arith.index_cast %add3A_273 : i32 to index
      %get3A_275 = tpu.vector_load %arg12[%get3A_274] {strides = array<i32>} : memref<16384xf32, #tpu.memory_space<vmem>>, vector<16xf32>,
      %add3A_276 = arith.constant 8704 : i32
      %add3A_277 = arith.addi %add3A_276, %mul3A_33 : i32
      %get3A_278 = arith.index_cast %add3A_277 : i32 to index
      %get3A_279 = tpu.vector_load %arg13[%get3A_278] {strides = array<i32>} : memref<16384xf32, #tpu.memory_space<vmem>>, vector<16xf32>,
      %mul3A_280 = arith.mulf %get3A_275, %get3A_279 : vector<16xf32>
      %mul3A_281 = vector.broadcast %squeeze3A_271 : f32 to vector<16xf32>
      %mul3A_282 = arith.mulf %mul3A_280, %mul3A_281 : vector<16xf32>
      %add3A_283 = arith.addf %add3A_269, %mul3A_282 : vector<16xf32>
      %slice3A_284 = vector.extract_strided_slice %get3A_22 {offsets = [2], sizes = [1], strides = [1]} : vector<16xf32> to vector<1xf32>
      %squeeze3A_285 = vector.extract %slice3A_284[0] : f32 from vector<1xf32>
      %add3A_286 = arith.constant 9216 : i32
      %add3A_287 = arith.addi %add3A_286, %mul3A_33 : i32
      %get3A_288 = arith.index_cast %add3A_287 : i32 to index
      %get3A_289 = tpu.vector_load %arg12[%get3A_288] {strides = array<i32>} : memref<16384xf32, #tpu.memory_space<vmem>>, vector<16xf32>,
      %add3A_290 = arith.constant 9216 : i32
      %add3A_291 = arith.addi %add3A_290, %mul3A_33 : i32
      %get3A_292 = arith.index_cast %add3A_291 : i32 to index
      %get3A_293 = tpu.vector_load %arg13[%get3A_292] {strides = array<i32>} : memref<16384xf32, #tpu.memory_space<vmem>>, vector<16xf32>,
      %mul3A_294 = arith.mulf %get3A_289, %get3A_293 : vector<16xf32>
      %mul3A_295 = vector.broadcast %squeeze3A_285 : f32 to vector<16xf32>
      %mul3A_296 = arith.mulf %mul3A_294, %mul3A_295 : vector<16xf32>
      %add3A_297 = arith.addf %add3A_283, %mul3A_296 : vector<16xf32>
      %slice3A_298 = vector.extract_strided_slice %get3A_22 {offsets = [3], sizes = [1], strides = [1]} : vector<16xf32> to vector<1xf32>
      %squeeze3A_299 = vector.extract %slice3A_298[0] : f32 from vector<1xf32>
      %add3A_300 = arith.constant 9728 : i32
      %add3A_301 = arith.addi %add3A_300, %mul3A_33 : i32
      %get3A_302 = arith.index_cast %add3A_301 : i32 to index
      %get3A_303 = tpu.vector_load %arg12[%get3A_302] {strides = array<i32>} : memref<16384xf32, #tpu.memory_space<vmem>>, vector<16xf32>,
      %add3A_304 = arith.constant 9728 : i32
      %add3A_305 = arith.addi %add3A_304, %mul3A_33 : i32
      %get3A_306 = arith.index_cast %add3A_305 : i32 to index
      %get3A_307 = tpu.vector_load %arg13[%get3A_306] {strides = array<i32>} : memref<16384xf32, #tpu.memory_space<vmem>>, vector<16xf32>,
      %mul3A_308 = arith.mulf %get3A_303, %get3A_307 : vector<16xf32>
      %mul3A_309 = vector.broadcast %squeeze3A_299 : f32 to vector<16xf32>
      %mul3A_310 = arith.mulf %mul3A_308, %mul3A_309 : vector<16xf32>
      %add3A_311 = arith.addf %add3A_297, %mul3A_310 : vector<16xf32>
      %slice3A_312 = vector.extract_strided_slice %get3A_22 {offsets = [4], sizes = [1], strides = [1]} : vector<16xf32> to vector<1xf32>
      %squeeze3A_313 = vector.extract %slice3A_312[0] : f32 from vector<1xf32>
      %add3A_314 = arith.constant 10240 : i32
      %add3A_315 = arith.addi %add3A_314, %mul3A_33 : i32
      %get3A_316 = arith.index_cast %add3A_315 : i32 to index
      %get3A_317 = tpu.vector_load %arg12[%get3A_316] {strides = array<i32>} : memref<16384xf32, #tpu.memory_space<vmem>>, vector<16xf32>,
      %add3A_318 = arith.constant 10240 : i32
      %add3A_319 = arith.addi %add3A_318, %mul3A_33 : i32
      %get3A_320 = arith.index_cast %add3A_319 : i32 to index
      %get3A_321 = tpu.vector_load %arg13[%get3A_320] {strides = array<i32>} : memref<16384xf32, #tpu.memory_space<vmem>>, vector<16xf32>,
      %mul3A_322 = arith.mulf %get3A_317, %get3A_321 : vector<16xf32>
      %mul3A_323 = vector.broadcast %squeeze3A_313 : f32 to vector<16xf32>
      %mul3A_324 = arith.mulf %mul3A_322, %mul3A_323 : vector<16xf32>
      %add3A_325 = arith.addf %add3A_311, %mul3A_324 : vector<16xf32>
      %slice3A_326 = vector.extract_strided_slice %get3A_22 {offsets = [5], sizes = [1], strides = [1]} : vector<16xf32> to vector<1xf32>
      %squeeze3A_327 = vector.extract %slice3A_326[0] : f32 from vector<1xf32>
      %add3A_328 = arith.constant 10752 : i32
      %add3A_329 = arith.addi %add3A_328, %mul3A_33 : i32
      %get3A_330 = arith.index_cast %add3A_329 : i32 to index
      %get3A_331 = tpu.vector_load %arg12[%get3A_330] {strides = array<i32>} : memref<16384xf32, #tpu.memory_space<vmem>>, vector<16xf32>,
      %add3A_332 = arith.constant 10752 : i32
      %add3A_333 = arith.addi %add3A_332, %mul3A_33 : i32
      %get3A_334 = arith.index_cast %add3A_333 : i32 to index
      %get3A_335 = tpu.vector_load %arg13[%get3A_334] {strides = array<i32>} : memref<16384xf32, #tpu.memory_space<vmem>>, vector<16xf32>,
      %mul3A_336 = arith.mulf %get3A_331, %get3A_335 : vector<16xf32>
      %mul3A_337 = vector.broadcast %squeeze3A_327 : f32 to vector<16xf32>
      %mul3A_338 = arith.mulf %mul3A_336, %mul3A_337 : vector<16xf32>
      %add3A_339 = arith.addf %add3A_325, %mul3A_338 : vector<16xf32>
      %slice3A_340 = vector.extract_strided_slice %get3A_22 {offsets = [6], sizes = [1], strides = [1]} : vector<16xf32> to vector<1xf32>
      %squeeze3A_341 = vector.extract %slice3A_340[0] : f32 from vector<1xf32>
      %add3A_342 = arith.constant 11264 : i32
      %add3A_343 = arith.addi %add3A_342, %mul3A_33 : i32
      %get3A_344 = arith.index_cast %add3A_343 : i32 to index
      %get3A_345 = tpu.vector_load %arg12[%get3A_344] {strides = array<i32>} : memref<16384xf32, #tpu.memory_space<vmem>>, vector<16xf32>,
      %add3A_346 = arith.constant 11264 : i32
      %add3A_347 = arith.addi %add3A_346, %mul3A_33 : i32
      %get3A_348 = arith.index_cast %add3A_347 : i32 to index
      %get3A_349 = tpu.vector_load %arg13[%get3A_348] {strides = array<i32>} : memref<16384xf32, #tpu.memory_space<vmem>>, vector<16xf32>,
      %mul3A_350 = arith.mulf %get3A_345, %get3A_349 : vector<16xf32>
      %mul3A_351 = vector.broadcast %squeeze3A_341 : f32 to vector<16xf32>
      %mul3A_352 = arith.mulf %mul3A_350, %mul3A_351 : vector<16xf32>
      %add3A_353 = arith.addf %add3A_339, %mul3A_352 : vector<16xf32>
      %slice3A_354 = vector.extract_strided_slice %get3A_22 {offsets = [7], sizes = [1], strides = [1]} : vector<16xf32> to vector<1xf32>
      %squeeze3A_355 = vector.extract %slice3A_354[0] : f32 from vector<1xf32>
      %add3A_356 = arith.constant 11776 : i32
      %add3A_357 = arith.addi %add3A_356, %mul3A_33 : i32
      %get3A_358 = arith.index_cast %add3A_357 : i32 to index
      %get3A_359 = tpu.vector_load %arg12[%get3A_358] {strides = array<i32>} : memref<16384xf32, #tpu.memory_space<vmem>>, vector<16xf32>,
      %add3A_360 = arith.constant 11776 : i32
      %add3A_361 = arith.addi %add3A_360, %mul3A_33 : i32
      %get3A_362 = arith.index_cast %add3A_361 : i32 to index
      %get3A_363 = tpu.vector_load %arg13[%get3A_362] {strides = array<i32>} : memref<16384xf32, #tpu.memory_space<vmem>>, vector<16xf32>,
      %mul3A_364 = arith.mulf %get3A_359, %get3A_363 : vector<16xf32>
      %mul3A_365 = vector.broadcast %squeeze3A_355 : f32 to vector<16xf32>
      %mul3A_366 = arith.mulf %mul3A_364, %mul3A_365 : vector<16xf32>
      %add3A_367 = arith.addf %add3A_353, %mul3A_366 : vector<16xf32>
      %slice3A_368 = vector.extract_strided_slice %get3A_22 {offsets = [8], sizes = [1], strides = [1]} : vector<16xf32> to vector<1xf32>
      %squeeze3A_369 = vector.extract %slice3A_368[0] : f32 from vector<1xf32>
      %add3A_370 = arith.constant 12288 : i32
      %add3A_371 = arith.addi %add3A_370, %mul3A_33 : i32
      %get3A_372 = arith.index_cast %add3A_371 : i32 to index
      %get3A_373 = tpu.vector_load %arg12[%get3A_372] {strides = array<i32>} : memref<16384xf32, #tpu.memory_space<vmem>>, vector<16xf32>,
      %add3A_374 = arith.constant 12288 : i32
      %add3A_375 = arith.addi %add3A_374, %mul3A_33 : i32
      %get3A_376 = arith.index_cast %add3A_375 : i32 to index
      %get3A_377 = tpu.vector_load %arg13[%get3A_376] {strides = array<i32>} : memref<16384xf32, #tpu.memory_space<vmem>>, vector<16xf32>,
      %mul3A_378 = arith.mulf %get3A_373, %get3A_377 : vector<16xf32>
      %mul3A_379 = vector.broadcast %squeeze3A_369 : f32 to vector<16xf32>
      %mul3A_380 = arith.mulf %mul3A_378, %mul3A_379 : vector<16xf32>
      %add3A_381 = arith.addf %add3A_367, %mul3A_380 : vector<16xf32>
      %slice3A_382 = vector.extract_strided_slice %get3A_22 {offsets = [9], sizes = [1], strides = [1]} : vector<16xf32> to vector<1xf32>
      %squeeze3A_383 = vector.extract %slice3A_382[0] : f32 from vector<1xf32>
      %add3A_384 = arith.constant 12800 : i32
      %add3A_385 = arith.addi %add3A_384, %mul3A_33 : i32
      %get3A_386 = arith.index_cast %add3A_385 : i32 to index
      %get3A_387 = tpu.vector_load %arg12[%get3A_386] {strides = array<i32>} : memref<16384xf32, #tpu.memory_space<vmem>>, vector<16xf32>,
      %add3A_388 = arith.constant 12800 : i32
      %add3A_389 = arith.addi %add3A_388, %mul3A_33 : i32
      %get3A_390 = arith.index_cast %add3A_389 : i32 to index
      %get3A_391 = tpu.vector_load %arg13[%get3A_390] {strides = array<i32>} : memref<16384xf32, #tpu.memory_space<vmem>>, vector<16xf32>,
      %mul3A_392 = arith.mulf %get3A_387, %get3A_391 : vector<16xf32>
      %mul3A_393 = vector.broadcast %squeeze3A_383 : f32 to vector<16xf32>
      %mul3A_394 = arith.mulf %mul3A_392, %mul3A_393 : vector<16xf32>
      %add3A_395 = arith.addf %add3A_381, %mul3A_394 : vector<16xf32>
      %slice3A_396 = vector.extract_strided_slice %get3A_22 {offsets = [10], sizes = [1], strides = [1]} : vector<16xf32> to vector<1xf32>
      %squeeze3A_397 = vector.extract %slice3A_396[0] : f32 from vector<1xf32>
      %add3A_398 = arith.constant 13312 : i32
      %add3A_399 = arith.addi %add3A_398, %mul3A_33 : i32
      %get3A_400 = arith.index_cast %add3A_399 : i32 to index
      %get3A_401 = tpu.vector_load %arg12[%get3A_400] {strides = array<i32>} : memref<16384xf32, #tpu.memory_space<vmem>>, vector<16xf32>,
      %add3A_402 = arith.constant 13312 : i32
      %add3A_403 = arith.addi %add3A_402, %mul3A_33 : i32
      %get3A_404 = arith.index_cast %add3A_403 : i32 to index
      %get3A_405 = tpu.vector_load %arg13[%get3A_404] {strides = array<i32>} : memref<16384xf32, #tpu.memory_space<vmem>>, vector<16xf32>,
      %mul3A_406 = arith.mulf %get3A_401, %get3A_405 : vector<16xf32>
      %mul3A_407 = vector.broadcast %squeeze3A_397 : f32 to vector<16xf32>
      %mul3A_408 = arith.mulf %mul3A_406, %mul3A_407 : vector<16xf32>
      %add3A_409 = arith.addf %add3A_395, %mul3A_408 : vector<16xf32>
      %slice3A_410 = vector.extract_strided_slice %get3A_22 {offsets = [11], sizes = [1], strides = [1]} : vector<16xf32> to vector<1xf32>
      %squeeze3A_411 = vector.extract %slice3A_410[0] : f32 from vector<1xf32>
      %add3A_412 = arith.constant 13824 : i32
      %add3A_413 = arith.addi %add3A_412, %mul3A_33 : i32
      %get3A_414 = arith.index_cast %add3A_413 : i32 to index
      %get3A_415 = tpu.vector_load %arg12[%get3A_414] {strides = array<i32>} : memref<16384xf32, #tpu.memory_space<vmem>>, vector<16xf32>,
      %add3A_416 = arith.constant 13824 : i32
      %add3A_417 = arith.addi %add3A_416, %mul3A_33 : i32
      %get3A_418 = arith.index_cast %add3A_417 : i32 to index
      %get3A_419 = tpu.vector_load %arg13[%get3A_418] {strides = array<i32>} : memref<16384xf32, #tpu.memory_space<vmem>>, vector<16xf32>,
      %mul3A_420 = arith.mulf %get3A_415, %get3A_419 : vector<16xf32>
      %mul3A_421 = vector.broadcast %squeeze3A_411 : f32 to vector<16xf32>
      %mul3A_422 = arith.mulf %mul3A_420, %mul3A_421 : vector<16xf32>
      %add3A_423 = arith.addf %add3A_409, %mul3A_422 : vector<16xf32>
      %slice3A_424 = vector.extract_strided_slice %get3A_22 {offsets = [12], sizes = [1], strides = [1]} : vector<16xf32> to vector<1xf32>
      %squeeze3A_425 = vector.extract %slice3A_424[0] : f32 from vector<1xf32>
      %add3A_426 = arith.constant 14336 : i32
      %add3A_427 = arith.addi %add3A_426, %mul3A_33 : i32
      %get3A_428 = arith.index_cast %add3A_427 : i32 to index
      %get3A_429 = tpu.vector_load %arg12[%get3A_428] {strides = array<i32>} : memref<16384xf32, #tpu.memory_space<vmem>>, vector<16xf32>,
      %add3A_430 = arith.constant 14336 : i32
      %add3A_431 = arith.addi %add3A_430, %mul3A_33 : i32
      %get3A_432 = arith.index_cast %add3A_431 : i32 to index
      %get3A_433 = tpu.vector_load %arg13[%get3A_432] {strides = array<i32>} : memref<16384xf32, #tpu.memory_space<vmem>>, vector<16xf32>,
      %mul3A_434 = arith.mulf %get3A_429, %get3A_433 : vector<16xf32>
      %mul3A_435 = vector.broadcast %squeeze3A_425 : f32 to vector<16xf32>
      %mul3A_436 = arith.mulf %mul3A_434, %mul3A_435 : vector<16xf32>
      %add3A_437 = arith.addf %add3A_423, %mul3A_436 : vector<16xf32>
      %slice3A_438 = vector.extract_strided_slice %get3A_22 {offsets = [13], sizes = [1], strides = [1]} : vector<16xf32> to vector<1xf32>
      %squeeze3A_439 = vector.extract %slice3A_438[0] : f32 from vector<1xf32>
      %add3A_440 = arith.constant 14848 : i32
      %add3A_441 = arith.addi %add3A_440, %mul3A_33 : i32
      %get3A_442 = arith.index_cast %add3A_441 : i32 to index
      %get3A_443 = tpu.vector_load %arg12[%get3A_442] {strides = array<i32>} : memref<16384xf32, #tpu.memory_space<vmem>>, vector<16xf32>,
      %add3A_444 = arith.constant 14848 : i32
      %add3A_445 = arith.addi %add3A_444, %mul3A_33 : i32
      %get3A_446 = arith.index_cast %add3A_445 : i32 to index
      %get3A_447 = tpu.vector_load %arg13[%get3A_446] {strides = array<i32>} : memref<16384xf32, #tpu.memory_space<vmem>>, vector<16xf32>,
      %mul3A_448 = arith.mulf %get3A_443, %get3A_447 : vector<16xf32>
      %mul3A_449 = vector.broadcast %squeeze3A_439 : f32 to vector<16xf32>
      %mul3A_450 = arith.mulf %mul3A_448, %mul3A_449 : vector<16xf32>
      %add3A_451 = arith.addf %add3A_437, %mul3A_450 : vector<16xf32>
      %slice3A_452 = vector.extract_strided_slice %get3A_22 {offsets = [14], sizes = [1], strides = [1]} : vector<16xf32> to vector<1xf32>
      %squeeze3A_453 = vector.extract %slice3A_452[0] : f32 from vector<1xf32>
      %add3A_454 = arith.constant 15360 : i32
      %add3A_455 = arith.addi %add3A_454, %mul3A_33 : i32
      %get3A_456 = arith.index_cast %add3A_455 : i32 to index
      %get3A_457 = tpu.vector_load %arg12[%get3A_456] {strides = array<i32>} : memref<16384xf32, #tpu.memory_space<vmem>>, vector<16xf32>,
      %add3A_458 = arith.constant 15360 : i32
      %add3A_459 = arith.addi %add3A_458, %mul3A_33 : i32
      %get3A_460 = arith.index_cast %add3A_459 : i32 to index
      %get3A_461 = tpu.vector_load %arg13[%get3A_460] {strides = array<i32>} : memref<16384xf32, #tpu.memory_space<vmem>>, vector<16xf32>,
      %mul3A_462 = arith.mulf %get3A_457, %get3A_461 : vector<16xf32>
      %mul3A_463 = vector.broadcast %squeeze3A_453 : f32 to vector<16xf32>
      %mul3A_464 = arith.mulf %mul3A_462, %mul3A_463 : vector<16xf32>
      %add3A_465 = arith.addf %add3A_451, %mul3A_464 : vector<16xf32>
      %slice3A_466 = vector.extract_strided_slice %get3A_22 {offsets = [15], sizes = [1], strides = [1]} : vector<16xf32> to vector<1xf32>
      %squeeze3A_467 = vector.extract %slice3A_466[0] : f32 from vector<1xf32>
      %add3A_468 = arith.constant 15872 : i32
      %add3A_469 = arith.addi %add3A_468, %mul3A_33 : i32
      %get3A_470 = arith.index_cast %add3A_469 : i32 to index
      %get3A_471 = tpu.vector_load %arg12[%get3A_470] {strides = array<i32>} : memref<16384xf32, #tpu.memory_space<vmem>>, vector<16xf32>,
      %add3A_472 = arith.constant 15872 : i32
      %add3A_473 = arith.addi %add3A_472, %mul3A_33 : i32
      %get3A_474 = arith.index_cast %add3A_473 : i32 to index
      %get3A_475 = tpu.vector_load %arg13[%get3A_474] {strides = array<i32>} : memref<16384xf32, #tpu.memory_space<vmem>>, vector<16xf32>,
      %mul3A_476 = arith.mulf %get3A_471, %get3A_475 : vector<16xf32>
      %mul3A_477 = vector.broadcast %squeeze3A_467 : f32 to vector<16xf32>
      %mul3A_478 = arith.mulf %mul3A_476, %mul3A_477 : vector<16xf32>
      %add3A_479 = arith.addf %add3A_465, %mul3A_478 : vector<16xf32>
      %swap3A = arith.index_cast %mul3A_33 : i32 to index
      %swap3A_480 = tpu.vector_load %arg16[%swap3A] {strides = array<i32>} : memref<512xf32, #tpu.memory_space<vmem>>, vector<16xf32>,
      tpu.vector_store %arg16[%swap3A], %add3A_479 {strides = array<i32>} : memref<512xf32, #tpu.memory_space<vmem>>, vector<16xf32>,
    }
    %scan3A_30 = arith.constant 32 : i32
    "tpu.region"() ({
      %run_scoped3A = tpu.sem_alloc : memref<!tpu.dma_semaphore, #tpu.memory_space<semaphore_mem>>
      %dma_start3A_31 = tpu.memref_slice %arg7[%mul3A_2] : memref<16384xf32, #tpu.memory_space<hbm>> -> memref<512xf32, #tpu.memory_space<hbm>>
      %dma_start3A_32 = tpu.memref_slice %arg7[%mul3A_2] : memref<16384xf32, #tpu.memory_space<hbm>> -> memref<512xf32, #tpu.memory_space<hbm>>
      tpu.enqueue_dma source(%arg16 : memref<512xf32, #tpu.memory_space<vmem>>) target(%dma_start3A_32 : memref<512xf32, #tpu.memory_space<hbm>>) target_semaphore(%run_scoped3A : memref<!tpu.dma_semaphore, #tpu.memory_space<semaphore_mem>>)
      %dma_wait3A_33 = tpu.memref_slice %arg7[%mul3A_2] : memref<16384xf32, #tpu.memory_space<hbm>> -> memref<512xf32, #tpu.memory_space<hbm>>
      %dma_wait3A_34 = tpu.memref_slice %arg7[%mul3A_2] : memref<16384xf32, #tpu.memory_space<hbm>> -> memref<512xf32, #tpu.memory_space<hbm>>
      tpu.wait_dma2 semaphore(%run_scoped3A : memref<!tpu.dma_semaphore, #tpu.memory_space<semaphore_mem>>) src(%arg16 : memref<512xf32, #tpu.memory_space<vmem>>) dst(%dma_wait3A_34 : memref<512xf32, #tpu.memory_space<hbm>>)
      tpu.yield
    }) : () -> ()
    return
  }
}

#map = affine_map<(d0, d1) -> (0)>
module attributes {stable_mosaic.version = 14 : i64} {
  func.func @bias_kernel(%arg0: i32, %arg1: i32, %arg2: memref<16384xi32, #tpu.memory_space<hbm>>, %arg3: memref<16384xi32, #tpu.memory_space<hbm>>, %arg4: memref<1000000xf32, #tpu.memory_space<hbm>>, %arg5: memref<1000000xf32, #tpu.memory_space<hbm>>, %arg6: memref<16384xf32, #tpu.memory_space<hbm>>, %arg7: memref<16384xf32, #tpu.memory_space<hbm>>, %arg8: memref<512xi32, #tpu.memory_space<vmem>>, %arg9: memref<512xi32, #tpu.memory_space<vmem>>, %arg10: memref<512xf32, #tpu.memory_space<vmem>>, %arg11: memref<512xf32, #tpu.memory_space<vmem>>, %arg12: memref<512xf32, #tpu.memory_space<vmem>>, %arg13: memref<!tpu.dma_semaphore, #tpu.memory_space<semaphore_mem>>, %arg14: memref<!tpu.dma_semaphore, #tpu.memory_space<semaphore_mem>>) attributes {dimension_semantics = [#tpu.dimension_semantics<core_parallel>, #tpu.dimension_semantics<subcore_parallel>], iteration_bounds = array<i64: 2, 16>, scalar_prefetch = 0 : i64, scratch_operands = 7 : i64, tpu.core_type = #tpu.core_type<sc_vector_subcore>, window_params = [{transform_indices = #map}, {transform_indices = #map}, {transform_indices = #map}, {transform_indices = #map}, {transform_indices = #map}, {transform_indices = #map}]} {
    %mul3A = arith.constant 2 : i32
    %mul3A_0 = arith.muli %arg1, %mul3A : i32
    %add3A = arith.addi %mul3A_0, %arg0 : i32
    %mul3A_1 = arith.constant 512 : i32
    %mul3A_2 = arith.muli %add3A, %mul3A_1 : i32
    "tpu.region"() ({
      %run_scoped3A = tpu.sem_alloc : memref<!tpu.dma_semaphore, #tpu.memory_space<semaphore_mem>>
      %dma_start3A_14 = tpu.memref_slice %arg2[%mul3A_2] : memref<16384xi32, #tpu.memory_space<hbm>> -> memref<512xi32, #tpu.memory_space<hbm>>
      %dma_start3A_15 = tpu.memref_slice %arg2[%mul3A_2] : memref<16384xi32, #tpu.memory_space<hbm>> -> memref<512xi32, #tpu.memory_space<hbm>>
      tpu.enqueue_dma source(%dma_start3A_15 : memref<512xi32, #tpu.memory_space<hbm>>) target(%arg8 : memref<512xi32, #tpu.memory_space<vmem>>) target_semaphore(%run_scoped3A : memref<!tpu.dma_semaphore, #tpu.memory_space<semaphore_mem>>)
      %dma_wait3A_16 = tpu.memref_slice %arg2[%mul3A_2] : memref<16384xi32, #tpu.memory_space<hbm>> -> memref<512xi32, #tpu.memory_space<hbm>>
      %dma_wait3A_17 = tpu.memref_slice %arg2[%mul3A_2] : memref<16384xi32, #tpu.memory_space<hbm>> -> memref<512xi32, #tpu.memory_space<hbm>>
      tpu.wait_dma2 semaphore(%run_scoped3A : memref<!tpu.dma_semaphore, #tpu.memory_space<semaphore_mem>>) src(%dma_wait3A_17 : memref<512xi32, #tpu.memory_space<hbm>>) dst(%arg8 : memref<512xi32, #tpu.memory_space<vmem>>)
      tpu.yield
    }) : () -> ()
    "tpu.region"() ({
      %run_scoped3A = tpu.sem_alloc : memref<!tpu.dma_semaphore, #tpu.memory_space<semaphore_mem>>
      %dma_start3A_14 = tpu.memref_slice %arg3[%mul3A_2] : memref<16384xi32, #tpu.memory_space<hbm>> -> memref<512xi32, #tpu.memory_space<hbm>>
      %dma_start3A_15 = tpu.memref_slice %arg3[%mul3A_2] : memref<16384xi32, #tpu.memory_space<hbm>> -> memref<512xi32, #tpu.memory_space<hbm>>
      tpu.enqueue_dma source(%dma_start3A_15 : memref<512xi32, #tpu.memory_space<hbm>>) target(%arg9 : memref<512xi32, #tpu.memory_space<vmem>>) target_semaphore(%run_scoped3A : memref<!tpu.dma_semaphore, #tpu.memory_space<semaphore_mem>>)
      %dma_wait3A_16 = tpu.memref_slice %arg3[%mul3A_2] : memref<16384xi32, #tpu.memory_space<hbm>> -> memref<512xi32, #tpu.memory_space<hbm>>
      %dma_wait3A_17 = tpu.memref_slice %arg3[%mul3A_2] : memref<16384xi32, #tpu.memory_space<hbm>> -> memref<512xi32, #tpu.memory_space<hbm>>
      tpu.wait_dma2 semaphore(%run_scoped3A : memref<!tpu.dma_semaphore, #tpu.memory_space<semaphore_mem>>) src(%dma_wait3A_17 : memref<512xi32, #tpu.memory_space<hbm>>) dst(%arg9 : memref<512xi32, #tpu.memory_space<vmem>>)
      tpu.yield
    }) : () -> ()
    %dma_start3A = arith.constant 0 : i32
    %dma_start3A_3 = tpu.memref_slice %arg4[%dma_start3A] : memref<1000000xf32, #tpu.memory_space<hbm>> -> memref<1000000xf32, #tpu.memory_space<hbm>>
    tpu.enqueue_indirect_dma source(%dma_start3A_3 : memref<1000000xf32, #tpu.memory_space<hbm>>) target(%arg10 : memref<512xf32, #tpu.memory_space<vmem>>) offsets(%arg8 : memref<512xi32, #tpu.memory_space<vmem>>) semaphore(%arg13 : memref<!tpu.dma_semaphore, #tpu.memory_space<semaphore_mem>>)
    %dma_start3A_4 = arith.constant 0 : i32
    %dma_start3A_5 = tpu.memref_slice %arg5[%dma_start3A_4] : memref<1000000xf32, #tpu.memory_space<hbm>> -> memref<1000000xf32, #tpu.memory_space<hbm>>
    tpu.enqueue_indirect_dma source(%dma_start3A_5 : memref<1000000xf32, #tpu.memory_space<hbm>>) target(%arg11 : memref<512xf32, #tpu.memory_space<vmem>>) offsets(%arg9 : memref<512xi32, #tpu.memory_space<vmem>>) semaphore(%arg14 : memref<!tpu.dma_semaphore, #tpu.memory_space<semaphore_mem>>)
    "tpu.region"() ({
      %run_scoped3A = tpu.sem_alloc : memref<!tpu.dma_semaphore, #tpu.memory_space<semaphore_mem>>
      %dma_start3A_14 = tpu.memref_slice %arg6[%mul3A_2] : memref<16384xf32, #tpu.memory_space<hbm>> -> memref<512xf32, #tpu.memory_space<hbm>>
      %dma_start3A_15 = tpu.memref_slice %arg6[%mul3A_2] : memref<16384xf32, #tpu.memory_space<hbm>> -> memref<512xf32, #tpu.memory_space<hbm>>
      tpu.enqueue_dma source(%dma_start3A_15 : memref<512xf32, #tpu.memory_space<hbm>>) target(%arg12 : memref<512xf32, #tpu.memory_space<vmem>>) target_semaphore(%run_scoped3A : memref<!tpu.dma_semaphore, #tpu.memory_space<semaphore_mem>>)
      %dma_wait3A_16 = tpu.memref_slice %arg6[%mul3A_2] : memref<16384xf32, #tpu.memory_space<hbm>> -> memref<512xf32, #tpu.memory_space<hbm>>
      %dma_wait3A_17 = tpu.memref_slice %arg6[%mul3A_2] : memref<16384xf32, #tpu.memory_space<hbm>> -> memref<512xf32, #tpu.memory_space<hbm>>
      tpu.wait_dma2 semaphore(%run_scoped3A : memref<!tpu.dma_semaphore, #tpu.memory_space<semaphore_mem>>) src(%dma_wait3A_17 : memref<512xf32, #tpu.memory_space<hbm>>) dst(%arg12 : memref<512xf32, #tpu.memory_space<vmem>>)
      tpu.yield
    }) : () -> ()
    %dma_wait3A = arith.constant 0 : i32
    %dma_wait3A_6 = tpu.memref_slice %arg4[%dma_wait3A] : memref<1000000xf32, #tpu.memory_space<hbm>> -> memref<1000000xf32, #tpu.memory_space<hbm>>
    tpu.wait_indirect_dma semaphore(%arg13 : memref<!tpu.dma_semaphore, #tpu.memory_space<semaphore_mem>>) src(%dma_wait3A_6 : memref<1000000xf32, #tpu.memory_space<hbm>>) dst(%arg10 : memref<512xf32, #tpu.memory_space<vmem>>)
    %dma_wait3A_7 = arith.constant 0 : i32
    %dma_wait3A_8 = tpu.memref_slice %arg5[%dma_wait3A_7] : memref<1000000xf32, #tpu.memory_space<hbm>> -> memref<1000000xf32, #tpu.memory_space<hbm>>
    tpu.wait_indirect_dma semaphore(%arg14 : memref<!tpu.dma_semaphore, #tpu.memory_space<semaphore_mem>>) src(%dma_wait3A_8 : memref<1000000xf32, #tpu.memory_space<hbm>>) dst(%arg11 : memref<512xf32, #tpu.memory_space<vmem>>)
    %scan3A = arith.constant 0 : i32
    %scan3A_9 = arith.constant 0 : i32
    %scan3A_10 = arith.constant 32 : i32
    %scan3A_11 = arith.addi %scan3A_9, %scan3A_10 : i32
    %scan3A_12 = arith.constant 1 : i32
    scf.for %scan3A_14 = %scan3A_9 to %scan3A_11 step %scan3A_12  : i32 {
      %mul3A_15 = arith.constant 16 : i32
      %mul3A_16 = arith.muli %scan3A_14, %mul3A_15 : i32
      %get3A = arith.index_cast %mul3A_16 : i32 to index
      %get3A_17 = tpu.vector_load %arg12[%get3A] {strides = array<i32>} : memref<512xf32, #tpu.memory_space<vmem>>, vector<16xf32>,
      %get3A_18 = arith.index_cast %mul3A_16 : i32 to index
      %get3A_19 = tpu.vector_load %arg10[%get3A_18] {strides = array<i32>} : memref<512xf32, #tpu.memory_space<vmem>>, vector<16xf32>,
      %add3A_20 = arith.addf %get3A_17, %get3A_19 : vector<16xf32>
      %get3A_21 = arith.index_cast %mul3A_16 : i32 to index
      %get3A_22 = tpu.vector_load %arg11[%get3A_21] {strides = array<i32>} : memref<512xf32, #tpu.memory_space<vmem>>, vector<16xf32>,
      %add3A_23 = arith.addf %add3A_20, %get3A_22 : vector<16xf32>
      %swap3A = arith.index_cast %mul3A_16 : i32 to index
      %swap3A_24 = tpu.vector_load %arg12[%swap3A] {strides = array<i32>} : memref<512xf32, #tpu.memory_space<vmem>>, vector<16xf32>,
      tpu.vector_store %arg12[%swap3A], %add3A_23 {strides = array<i32>} : memref<512xf32, #tpu.memory_space<vmem>>, vector<16xf32>,
    }
    %scan3A_13 = arith.constant 32 : i32
    "tpu.region"() ({
      %run_scoped3A = tpu.sem_alloc : memref<!tpu.dma_semaphore, #tpu.memory_space<semaphore_mem>>
      %dma_start3A_14 = tpu.memref_slice %arg7[%mul3A_2] : memref<16384xf32, #tpu.memory_space<hbm>> -> memref<512xf32, #tpu.memory_space<hbm>>
      %dma_start3A_15 = tpu.memref_slice %arg7[%mul3A_2] : memref<16384xf32, #tpu.memory_space<hbm>> -> memref<512xf32, #tpu.memory_space<hbm>>
      tpu.enqueue_dma source(%arg12 : memref<512xf32, #tpu.memory_space<vmem>>) target(%dma_start3A_15 : memref<512xf32, #tpu.memory_space<hbm>>) target_semaphore(%run_scoped3A : memref<!tpu.dma_semaphore, #tpu.memory_space<semaphore_mem>>)
      %dma_wait3A_16 = tpu.memref_slice %arg7[%mul3A_2] : memref<16384xf32, #tpu.memory_space<hbm>> -> memref<512xf32, #tpu.memory_space<hbm>>
      %dma_wait3A_17 = tpu.memref_slice %arg7[%mul3A_2] : memref<16384xf32, #tpu.memory_space<hbm>> -> memref<512xf32, #tpu.memory_space<hbm>>
      tpu.wait_dma2 semaphore(%run_scoped3A : memref<!tpu.dma_semaphore, #tpu.memory_space<semaphore_mem>>) src(%arg12 : memref<512xf32, #tpu.memory_space<vmem>>) dst(%dma_wait3A_17 : memref<512xf32, #tpu.memory_space<hbm>>)
      tpu.yield
    }) : () -> ()
    return
  }
}

</mosaic_0001>

<sc_bundles>
// kernel: kernel.4.cloned.1.call-start
scs
__scs_entry_jumppad:
0x0: {  	(pc) =	sbr.rel $0x88, $3  }
0x1: {  	(tag) =	ssettag $0x0;
	lr =	simm.s32 $0x1  }
0x2: {  	[smem:$0x3F9B] =	sst lr;
	_ =	strace $0xD0000000  }
0x3: {  	_ = 	snop  }
0x4: {  	_ = 	snop  }
0x5: {  	_ = 	snop  }
0x6: {  	_ = 	snop  }
0x7: {  	_ = 	snop  }
__scs_overlays_trampoline_lowered:
0x8: {  	[smem:$0x3FAA] =	sst s0  }
0x9: {  	[smem:$0x3FAB] =	sst s1  }
0xa: {  	[smem:$0x3FAC] =	sst s2  }
0xb: {  	[smem:$0x3FAD] =	sst s3  }
0xc: {  	[smem:$0x3FAE] =	sst s4  }
0xd: {  	[smem:$0x3FAF] =	sst s5  }
0xe: {  	[smem:$0x3FB0] =	sst s6  }
0xf: {  	[smem:$0x3FB1] =	sst s7  }
0x10: {  	[smem:$0x3FB2] =	sst s8  }
0x11: {  	[smem:$0x3FB3] =	sst s9;
	s0 =	simm.s32 @!p0 $0x0  }
0x12: {  	s1 =	sld [smem:$0x3F99];
	s0 =	simm.s32 @p0 $0x1  }
0x13: {  	[smem:$0x3FB4] =	sst s0;
	s0 =	simm.s32 @!p1 $0x0  }
0x14: {  	s2 =	sld [smem:$0x3F98];
	s0 =	simm.s32 @p1 $0x1  }
0x15: {  	[smem:$0x3FB5] =	sst s0;
	s0 =	simm.s32 @!p2 $0x0  }
0x16: {  	s3 =	sld [smem:$0x3FDB];
	s0 =	simm.s32 @p2 $0x1  }
0x17: {  	s4 =	simm.s32 $0x1BF5;
	[smem:$0x3FB7] =	sst s0  }
0x18: {  	s0 =	sld [smem:$0x3F9A];
	_ =	swait.ge [sflag:s4], $0x0  }
0x19: {  	s7 =	sld [smem:$0x3F9B]  }
0x1a: {  	s8 =	sadd.s32 $0xFFFFE003, lr  }
0x1b: {  	s9 =	sadd.s32 $0xFFFFFEF7, lr;
	s5 =	simm.s32 $0xFFFFFFFF;
	p2 =	slt.u32 s8, $0xFFFFF086  }
0x1c: {  	p1 =	slt.u32 s9, $0xF7A;
	s5 =	simm.s32 @!p2 $0x0  }
0x1d: {  	s5 =	simm.s32 @p1 $0x1;
	p0 =	seq.s32 s7, s2  }
0x1e: {  	s7 =	smul.u32 @!p0 $0xF7A, s2;
	p2 =	seq.s32 @!p0 s5, $0x0  }
0x1f: {  	s9 =	smul.u32 $0xF7A, s1;
	s8 =	simm.s32 @!p0 $0x1BF5;
	p2 =	por !p2, p0  }
0x20: {  	[sflag:s8] =	ssyncset.s32 @!p0 $0xFFFFF086;
	s6 =	sadd.s32 @!p0 s3, s7;
	s7 =	simm.s32 @!p0 $0x108  }
0x21: {  	s3 =	sadd.s32 s3, s9;
	s6 =	sadd.s32 @!p0 $0x88, s6;
	s7 =	simm.s32 @p2 $0x1082  }
0x22: {  	[simem:s7], [sflag:s8] =	dma.local @!p0 [hbm:s6], $0xF7A  }
0x23: {  	s9 =	sor.u32 $0xD0000000, s2;
	s6 =	simm.s32 $0x108;
	_ =	swait.ge @!p0 [sflag:s8], $0x0  }
0x24: {  	s3 =	sadd.s32 $0x88, s3;
	s6 =	simm.s32 @!p1 $0x1082;
	[sflag:s4] =	ssyncset.s32 $0xFFFFF086  }
0x25: {  	[simem:s6], [sflag:s4] =	dma.local [hbm:s3], $0xF7A  }
0x26: {  	[smem:$0x3F9B] =	sst s1;
	(tag) =	ssettag s2;
	_ =	strace s9  }
0x27: {  	s1 =	sld [smem:$0x3FAB]  }
0x28: {  	s2 =	sld [smem:$0x3FAC]  }
0x29: {  	s4 =	sld [smem:$0x3FAE]  }
0x2a: {  	p0 =	seq.s32 s5, $0x0;
	s5 =	sld [smem:$0x3FAF]  }
0x2b: {  	s6 =	sld [smem:$0x3FB0]  }
0x2c: {  	s7 =	sld [smem:$0x3FB1]  }
0x2d: {  	s3 =	simm.s32 $0x108;
	s8 =	sld [smem:$0x3FB2]  }
0x2e: {  	s3 =	simm.s32 @!p0 $0x1082;
	s9 =	sld [smem:$0x3FB3]  }
0x2f: {  	lr =	sadd.s32 s0, s3;
	s0 =	sld [smem:$0x3FAA]  }
0x30: {  	s3 =	sld [smem:$0x3FAD]  }
0x31: {  	[smem:$0x3FB6] =	sst s10  }
0x32: {  	s10 =	sld [smem:$0x3FB4];
	_ =	sdelay $0x3  }
0x33: {  	p0 =	seq.s32 s10, $0x1;
	s10 =	sld [smem:$0x3FB6];
	_ =	sdelay $0x3  }
0x34: {  	[smem:$0x3FB6] =	sst s10  }
0x35: {  	s10 =	sld [smem:$0x3FB5];
	_ =	sdelay $0x3  }
0x36: {  	p1 =	seq.s32 s10, $0x1;
	s10 =	sld [smem:$0x3FB6];
	_ =	sdelay $0x3  }
0x37: {  	[smem:$0x3FB6] =	sst s10  }
0x38: {  	s10 =	sld [smem:$0x3FB7]  }
0x39: {  	_ = 	snop;
	(pc) =	sbr.ind lr, $3  }
0x3a: {  	_ = 	snop  }
0x3b: {  	_ = 	snop  }
0x3c: {  	p2 =	seq.s32 s10, $0x1;
	s10 =	sld [smem:$0x3FB6]  }
0x3d: {  	_ =	shalt  }
0x3e: {  	_ =	shalt  }
0x3f: {  	_ =	shalt  }
0x40: {  	_ =	shalt  }
0x41: {  	_ =	shalt  }
0x42: {  	_ =	shalt  }
0x43: {  	_ =	shalt  }
0x44: {  	_ =	shalt  }
0x45: {  	_ =	shalt  }
0x46: {  	_ =	shalt  }
0x47: {  	_ =	shalt  }
0x48: {  	_ =	shalt  }
0x49: {  	_ =	shalt  }
0x4a: {  	_ =	shalt  }
0x4b: {  	_ =	shalt  }
0x4c: {  	_ =	shalt  }
0x4d: {  	_ =	shalt  }
0x4e: {  	_ =	shalt  }
0x4f: {  	_ =	shalt  }
0x50: {  	_ =	shalt  }
0x51: {  	_ =	shalt  }
0x52: {  	_ =	shalt  }
0x53: {  	_ =	shalt  }
0x54: {  	_ =	shalt  }
0x55: {  	_ =	shalt  }
0x56: {  	_ =	shalt  }
0x57: {  	_ =	shalt  }
0x58: {  	_ =	shalt  }
0x59: {  	_ =	shalt  }
0x5a: {  	_ =	shalt  }
0x5b: {  	_ =	shalt  }
0x5c: {  	_ =	shalt  }
0x5d: {  	_ =	shalt  }
0x5e: {  	_ =	shalt  }
0x5f: {  	_ =	shalt  }
0x60: {  	_ =	shalt  }
0x61: {  	_ =	shalt  }
0x62: {  	_ =	shalt  }
0x63: {  	_ =	shalt  }
0x64: {  	_ =	shalt  }
0x65: {  	_ =	shalt  }
0x66: {  	_ =	shalt  }
0x67: {  	_ =	shalt  }
0x68: {  	_ =	shalt  }
0x69: {  	_ =	shalt  }
0x6a: {  	_ =	shalt  }
0x6b: {  	_ =	shalt  }
0x6c: {  	_ =	shalt  }
0x6d: {  	_ =	shalt  }
0x6e: {  	_ =	shalt  }
0x6f: {  	_ =	shalt  }
0x70: {  	_ =	shalt  }
0x71: {  	_ =	shalt  }
0x72: {  	_ =	shalt  }
0x73: {  	_ =	shalt  }
0x74: {  	_ =	shalt  }
0x75: {  	_ =	shalt  }
0x76: {  	_ =	shalt  }
0x77: {  	_ =	shalt  }
0x78: {  	_ =	shalt  }
0x79: {  	_ =	shalt  }
0x7a: {  	_ =	shalt  }
0x7b: {  	_ =	shalt  }
0x7c: {  	_ =	shalt  }
0x7d: {  	_ =	shalt  }
0x7e: {  	_ =	shalt  }
0x7f: {  	_ =	shalt  }
0x80: {  	_ =	shalt  }
0x81: {  	_ =	shalt  }
0x82: {  	_ =	shalt  }
0x83: {  	_ =	shalt  }
0x84: {  	_ =	shalt  }
0x85: {  	_ =	shalt  }
0x86: {  	_ =	shalt  }
0x87: {  	_ =	shalt  }
.Lfunc_end0:
.L_simem_size_0:
called_computation_lowered:
.L_overlay_start_0:
0x88: {  	s2 =	sld [smem:$0x3FD9]  }
0x89: {  	s3 =	sld [smem:$0x3FFE];
	_ =	sdelay $0x1  }
0x8a: {  	s1 =	srdreg.scid  }
0x8b: {  	s0 =	sand.u32 $0x1, s1  }
0x8c: {  	s17 =	sshll.u32 s0, $0xA;
	s2 =	sadd.s32 s3, s2  }
0x8d: {  	s2 =	sadd.s32 s2, s17  }
0x8e: {  	[smem:$0x3FC2] =	sst s2  }
0x8f: {  	_ = 	snop  }
0x90: {  	s2 =	sld [smem:$0x3FC8]  }
0x91: {  	s18 =	sld [smem:$0x3FC5];
	(tm) =	ssettm $0x1  }
0x92: {  	s4 =	sld [smem:$0x3FFB];
	_ =	sdelay $0x3  }
0x93: {  	_ =	strace s4  }
0x94: {  	s4 =	sld [smem:$0x3FFC];
	_ =	sdelay $0x3  }
0x95: {  	_ =	strace s4  }
0x96: {  	s4 =	sld [smem:$0x3FFD];
	_ =	sdelay $0x3  }
0x97: {  	_ =	strace s4  }
0x98: {  	_ =	strace $0x8FFFFFFF  }
0x99: {  	s19 =	sld [smem:$0x3FDB];
	_ =	sdelay $0x1  }
0x9a: {  	s5 =	simm.s32 $_scs_section_size  }
0x9b: {  	s6 =	simm.s32 $_size__tile_overlayer_lowered;
	s7 =	simm.s32 $_tile_overlayer_lowered  }
0x9c: {  	s22 =	simm.s32 $0x1BFF;
	s21 =	sshll.u32 s7, $0x1;
	s4 =	sadd.s32 s5, s19  }
0x9d: {  	s8 =	simm.s32 $0x0;
	s20 =	sshll.u32 s6, $0x1;
	s6 =	sadd.s32 s21, s4  }
0x9e: {  	[timem:s8], [sflag:s22] =	dma.local [hbm:s6], s20  }
0x9f: {  	_ =	swait.ge [sflag:s22], s20  }
0xa0: {  	s5 =	ssub.s32 $0x0, s20;
	[sflag:s22] =	ssyncset.done $0x0  }
0xa1: {  	[sflag:s22] =	ssyncadd.s32 s5;
	_ =	sdelay $0x1  }
0xa2: {  	s23 =	simm.s32 $0x1B8B  }
0xa3: {  	_ =	swait.ge [sflag:s23], $0x1  }
0xa4: {  	[sflag:s23] =	ssyncset.done $0x0  }
0xa5: {  	s25 =	simm.s32 $0x1B8E;
	s24 =	sld [smem:$0x3FFE];
	[sflag:s23] =	ssyncadd.s32 $0xFFFFFFFF  }
0xa6: {  	s26 =	simm.s32 $execute0_lowered;
	[smem:$0x3FD2] =	sst s25  }
0xa7: {  	s6 =	sshll.u32 s26, $0x1;
	_ =	strace $0x80000046;
	[dreg:$0x1] =	wrdreg $0xFFFFFFFF  }
0xa8: {  	s28 =	simm.s32 $_size_execute0_lowered;
	s4 =	sadd.s32 s4, s6;
	[dreg:$0x0] =	wrdreg $0x0  }
0xa9: {  	s6 =	sshll.u32 s28, $0x1;
	[dreg:$0x2] =	wrdreg s4  }
0xaa: {  	[dreg:$0x3] =	wrdreg s6  }
0xab: {  	[dreg:$0x4] =	wrdreg $0xC0  }
0xac: {  	_ =	task [dreg:s8], $0x5FFFF  }
0xad: {  	[dreg:$0x1] =	wrdreg $0xFFFFFFFF  }
0xae: {  	[dreg:$0x0] =	wrdreg $0x60  }
0xaf: {  	[dreg:$0x2] =	wrdreg s24  }
0xb0: {  	[dreg:$0x3] =	wrdreg s2  }
0xb1: {  	[dreg:$0x4] =	wrdreg s18  }
0xb2: {  	[dreg:$0x5] =	wrdreg $0x9  }
0xb3: {  	_ =	task.clear_ibuf [dreg:s8], $0x6FFFF;
	_ =	strace $0x90000046  }
0xb4: {  	s29 =	simm.s32 $0x9;
	_ =	strace $0x80000048  }
0xb5: {  	_ =	swait.ge [sflag:s29], $0x1  }
0xb6: {  	[sflag:s29] =	ssyncadd.s32 $0xFFFFFFFF  }
0xb7: {  	_ =	strace $0x90000048  }
0xb8: {  	_ =	sfence  }
0xb9: {  	s30 =	sld [smem:$0x0];
	_ =	sdelay $0x2  }
0xba: {  	s31 =	sshll.u32 s1, $0xD;
	s1 =	sshrl.u32 s1, $0x2  }
0xbb: {  	s3 =	sand.u32 $0x4000, s31;
	s1 =	sadd.s32 s1, s30  }
0xbc: {  	s0 =	sor.u32 s3, s0;
	s1 =	sshll.u32 s1, $0x11  }
0xbd: {  	s0 =	sor.u32 s1, s0  }
0xbe: {  	s0 =	sadd.s32 $0x8F2B, s0  }
0xbf: {  	[sflag:s0] =	ssyncadd.remote.s32 $0x1  }
0xc0: {  	_ =	sfence.sel $0xFFFF  }
0xc1: {  	[dreg:$0x0] =	wrdreg $0xFFFFFFFF;
	(pc) =	sbr.abs _section_cstart, $3  }
0xc2: {  	[dreg:$0x1] =	wrdreg $0xFFFFFFFF  }
0xc3: {  	_ =	task.clear_ibuf [dreg:s8], $0x2FFFF;
	_ =	strace $0x9FFFFFFF  }
0xc4: {  	(tm) =	ssettm $0x7FFFFFFF  }
0xc5: {  	_ =	shalt  }
tec
execute0_lowered:
.L_overlay_start_1:
0x0: {  	(tag) =	ssettag $0x1  }
0x1: {  	s6 =	rddreg [dreg:$0x0]  }
0x2: {  	s1 =	rddreg [dreg:$0x1]  }
0x3: {  	s3 =	rddreg [dreg:$0x2]  }
0x4: {  	s0 =	rddreg [dreg:$0x3];
	s5 =	srdreg.scid  }
0x5: {  	s4 =	simm.s32 $0x0;
	s2 =	stileid.u32;
	s11 =	simm.s32 $0x200  }
0x6: {  	s12 =	simm.s32 $0x10400;
	s13 =	simm.s32 $0x10420;
	s14 =	simm.s32 $0x4000  }
0x7: {  	s15 =	simm.s32 $0x400;
	s16 =	simm.s32 $0x8400;
	s17 =	simm.s32 $0x4400  }
0x8: {  	s18 =	simm.s32 $0xC400;
	s19 =	simm.s32 $0x1;
	s20 =	simm.s32 $0x2  }
0x9: {  	s21 =	simm.s32 $0x10430;
	s22 =	simm.s32 $0x0;
	s5 =	sand.u32 $0x1, s5  }
0xa: {  	[smem:$0x7FF] =	sst s4;
	s7 =	sshll.u32 s2, $0x7;
	s8 =	sshll.u32 s5, $0x6  }
0xb: {  	_ =	strace $0x80000047;
	s30 =	ssub.s32 $0x2, s5;
	s7 =	sor.u32 s8, s7  }
0xc: {  	s5 =	sadd.s32 $0x1400, s6;
	s31 =	sshrl.u32 s30, $0x1;
	s9 =	sadd.s32 s7, s6  }
0xd: {  	s10 =	ssub.s32 s30, s31;
	s6 =	sadd.s32 $0xC00, s9;
	s7 =	sadd.s32 $0x400, s9  }
0xe: {  	s8 =	sadd.s32 $0x1600, s9;
	s9 =	smax.u32 s10, $0x1;
	s10 =	simm.s32 $0x3  }
.LBB2_1:
0xf: {  	[tilespmem:s4], [sflag:$0x3] =	stream.linear.gather [hbm4b:s6+s4], $0x200, $0x38;
	[tilespmem:$0x10630] =	vst v63  }
0x10: {  	_ =	swait.ge [sflag:s10], $0x200  }
0x11: {  	[sflag:s10] =	ssyncset.done $0x0  }
0x12: {  	[sflag:s10] =	ssyncadd.s32 $0xFFFFFE00  }
0x13: {  	[tilespmem:s11], [sflag:$0x3] =	stream.linear.gather [hbm4b:s7+s4], $0x200, $0x38;
	[tilespmem:$0x10630] =	vst v63  }
0x14: {  	_ =	swait.ge [sflag:s10], $0x200  }
0x15: {  	[sflag:s10] =	ssyncset.done $0x0  }
0x16: {  	[sflag:s10] =	ssyncadd.s32 $0xFFFFFE00  }
0x17: {  	[tilespmem:s12], [sflag:$0x3] =	stream.linear.gather [hbm4b:s3+s4], $0x20, $0x38;
	[tilespmem:$0x10630] =	vst v63  }
0x18: {  	_ =	swait.ge [sflag:s10], $0x20  }
0x19: {  	[sflag:s10] =	ssyncset.done $0x0  }
0x1a: {  	[sflag:s10] =	ssyncadd.s32 $0xFFFFFFE0  }
0x1b: {  	[tilespmem:s13], [sflag:$0x3] =	stream.linear.gather [hbm4b:s5+s4], $0x10, $0x38;
	[tilespmem:$0x10630] =	vst v63  }
0x1c: {  	_ =	swait.ge [sflag:s10], $0x10  }
0x1d: {  	[sflag:s10] =	ssyncset.done $0x0  }
0x1e: {  	s23 =	simm.s32 $0x0;
	[sflag:s10] =	ssyncadd.s32 $0xFFFFFFF0  }
0x1f: {  	v0 =	vld [tilespmem:s23+$0x0];
	_ =	sdelay $0x4  }
0x20: {  	v1 =	vshrl.u32 v0, $0x7  }
0x21: {  	v1 =	vmul.u32 $0x380, v1;
	_ =	sdelay $0x1  }
0x22: {  	v6 =	vadd.s32 v0, v1  }
0x23: {  	v0 =	vadd.s32 $0x2DC6F80, v6;
	[tilespmem:s23+$0x400] =	vst v6  }
0x24: {  	v1 =	vadd.s32 $0x2DC6F00, v6;
	[tilespmem:s23+$0x4200] =	vst v0  }
0x25: {  	v3 =	vadd.s32 $0x1E84A00, v6;
	[tilespmem:s23+$0x4000] =	vst v1  }
0x26: {  	v5 =	vadd.s32 $0x1E84980, v6;
	[tilespmem:s23+$0x2C00] =	vst v3  }
0x27: {  	v7 =	vadd.s32 $0x1E84900, v6;
	[tilespmem:s23+$0x2A00] =	vst v5  }
0x28: {  	v8 =	vadd.s32 $0xF42780, v6;
	[tilespmem:s23+$0x2800] =	vst v7  }
0x29: {  	v12 =	vadd.s32 $0xF42680, v6;
	[tilespmem:s23+$0x2200] =	vst v8  }
0x2a: {  	v14 =	vadd.s32 $0x1E84880, v6;
	[tilespmem:s23+$0x1E00] =	vst v12  }
0x2b: {  	v0 =	vadd.s32 $0x2DC6E80, v6;
	[tilespmem:s23+$0x2600] =	vst v14  }
0x2c: {  	v1 =	vadd.s32 $0x2DC6E00, v6;
	[tilespmem:s23+$0x3E00] =	vst v0  }
0x2d: {  	v4 =	vadd.s32 $0xF42600, v6;
	v0 =	vadd.s32 $0x2DC6D80, v6;
	[tilespmem:s23+$0x3C00] =	vst v1  }
0x2e: {  	v10 =	vadd.s32 $0xF42700, v6;
	v1 =	vadd.s32 $0x2DC6D00, v6;
	[tilespmem:s23+$0x3A00] =	vst v0  }
0x2f: {  	v11 =	vadd.s32 $0xF42400, v6;
	v0 =	vadd.s32 $0x2DC6C80, v6;
	[tilespmem:s23+$0x3800] =	vst v1  }
0x30: {  	v2 =	vadd.s32 $0x80, v6;
	v9 =	vadd.s32 $0xF42480, v6;
	v1 =	vadd.s32 $0x2DC6C00, v6;
	[tilespmem:s23+$0x3600] =	vst v0  }
0x31: {  	v13 =	vadd.s32 $0x380, v6;
	v3 =	vadd.s32 $0x180, v6;
	v0 =	vadd.s32 $0x1E84800, v6;
	[tilespmem:s23+$0x3400] =	vst v1  }
0x32: {  	v5 =	vadd.s32 $0x200, v6;
	v7 =	vadd.s32 $0x280, v6;
	v1 =	vadd.s32 $0x1E84B00, v6;
	[tilespmem:s23+$0x2400] =	vst v0  }
0x33: {  	v8 =	vadd.s32 $0x300, v6;
	v12 =	vadd.s32 $0xF42500, v6;
	v0 =	vadd.s32 $0x1E84A80, v6;
	[tilespmem:s23+$0x3000] =	vst v1  }
0x34: {  	s24 =	simm.s32 $0x40;
	v1 =	vadd.s32 $0x100, v6;
	[tilespmem:s23+$0x2E00] =	vst v0;
	v0 =	vadd.s32 $0x1E84B80, v6;
	v6 =	vadd.s32 $0xF42580, v6  }
.LBB2_2:
0x35: {  	s25 =	sshra.s32 s24, $0x2;
	p0 =	sne.s32 s24, $0x7C0;
	s24 =	sadd.s32 $0x40, s24;
	[tilespmem:s23+$0x600] =	vst v2  }
0x36: {  	v2 =	vld [tilespmem:s25+$0x0];
	[tilespmem:s23+$0x1C00] =	vst v4  }
0x37: {  	[tilespmem:s23+$0x2000] =	vst v10  }
0x38: {  	[tilespmem:s23+$0x800] =	vst v1  }
0x39: {  	[tilespmem:s23+$0xA00] =	vst v3  }
0x3a: {  	[tilespmem:s23+$0xC00] =	vst v5  }
0x3b: {  	v1 =	vshrl.u32 v2, $0x7;
	[tilespmem:s23+$0xE00] =	vst v7  }
0x3c: {  	v1 =	vmul.u32 $0x380, v1;
	[tilespmem:s23+$0x1000] =	vst v8  }
0x3d: {  	[tilespmem:s23+$0x1200] =	vst v13  }
0x3e: {  	v14 =	vadd.s32 v2, v1;
	[tilespmem:s23+$0x1400] =	vst v11  }
0x3f: {  	v2 =	vadd.s32 $0x80, v14;
	v5 =	vadd.s32 $0x1E84B80, v14;
	v11 =	vadd.s32 $0x2DC6F80, v14;
	[tilespmem:s23+$0x1600] =	vst v9  }
0x40: {  	v1 =	vadd.s32 $0x100, v14;
	v4 =	vadd.s32 $0xF42600, v14;
	v9 =	vadd.s32 $0x2DC6F00, v14;
	[tilespmem:s23+$0x1800] =	vst v12  }
0x41: {  	v3 =	vadd.s32 $0x180, v14;
	v15 =	vadd.s32 $0xF42680, v14;
	v12 =	vadd.s32 $0x2DC6E80, v14;
	[tilespmem:s23+$0x3200] =	vst v0;
	v0 =	vmovc v5  }
0x42: {  	v10 =	vadd.s32 $0xF42700, v14;
	v16 =	vadd.s32 $0x2DC6E00, v14;
	v5 =	vadd.s32 $0x200, v14;
	[tilespmem:s25+$0x400] =	vst v14  }
0x43: {  	v7 =	vadd.s32 $0x280, v14;
	v17 =	vadd.s32 $0xF42780, v14;
	v18 =	vadd.s32 $0x2DC6D80, v14;
	[tilespmem:s23+$0x1A00] =	vst v6;
	s23 =	smov.u32 s25  }
0x44: {  	v8 =	vadd.s32 $0x300, v14;
	v19 =	vadd.s32 $0x1E84800, v14;
	v20 =	vadd.s32 $0x2DC6D00, v14;
	[tilespmem:s23+$0x4200] =	vst v11  }
0x45: {  	v13 =	vadd.s32 $0x380, v14;
	v21 =	vadd.s32 $0x1E84880, v14;
	v22 =	vadd.s32 $0x2DC6C80, v14;
	[tilespmem:s23+$0x4000] =	vst v9  }
0x46: {  	v23 =	vadd.s32 $0x1E84900, v14;
	v11 =	vadd.s32 $0xF42400, v14;
	[tilespmem:s23+$0x3E00] =	vst v12  }
0x47: {  	v24 =	vadd.s32 $0x1E84980, v14;
	v9 =	vadd.s32 $0xF42480, v14;
	[tilespmem:s23+$0x3C00] =	vst v16  }
0x48: {  	v12 =	vadd.s32 $0xF42500, v14;
	v16 =	vadd.s32 $0x1E84A00, v14;
	[tilespmem:s23+$0x3A00] =	vst v18  }
0x49: {  	v6 =	vadd.s32 $0xF42580, v14;
	v18 =	vadd.s32 $0x1E84A80, v14;
	[tilespmem:s23+$0x3800] =	vst v20  }
0x4a: {  	v20 =	vadd.s32 $0x1E84B00, v14;
	v14 =	vadd.s32 $0x2DC6C00, v14;
	[tilespmem:s23+$0x3600] =	vst v22  }
0x4b: {  	[tilespmem:s23+$0x3400] =	vst v14  }
0x4c: {  	[tilespmem:s23+$0x2400] =	vst v19  }
0x4d: {  	[tilespmem:s23+$0x3000] =	vst v20  }
0x4e: {  	[tilespmem:s23+$0x2E00] =	vst v18  }
0x4f: {  	[tilespmem:s23+$0x2C00] =	vst v16  }
.Ltmp0:
0x50: {  	[tilespmem:s23+$0x2A00] =	vst v24;
	(pc) =	sbr.rel @p0 .LBB2_2-.Ltmp0, $4  }
0x51: {  	[tilespmem:s23+$0x2800] =	vst v23  }
0x52: {  	[tilespmem:s23+$0x2200] =	vst v17  }
0x53: {  	[tilespmem:s23+$0x1E00] =	vst v15  }
0x54: {  	[tilespmem:s23+$0x2600] =	vst v21  }
0x55: {  	[tilespmem:s23+$0x600] =	vst v2  }
0x56: {  	[tilespmem:s23+$0x1C00] =	vst v4  }
0x57: {  	[tilespmem:s23+$0x2000] =	vst v10  }
0x58: {  	[tilespmem:s23+$0x800] =	vst v1  }
0x59: {  	[tilespmem:s23+$0xA00] =	vst v3  }
0x5a: {  	[tilespmem:s23+$0xC00] =	vst v5  }
0x5b: {  	[tilespmem:s23+$0xE00] =	vst v7  }
0x5c: {  	[tilespmem:s23+$0x1000] =	vst v8  }
0x5d: {  	[tilespmem:s23+$0x1200] =	vst v13  }
0x5e: {  	[tilespmem:s23+$0x1400] =	vst v11  }
0x5f: {  	[tilespmem:s23+$0x1600] =	vst v9  }
0x60: {  	[tilespmem:s23+$0x1800] =	vst v12  }
0x61: {  	[tilespmem:s23+$0x3200] =	vst v0  }
0x62: {  	[tilespmem:s23+$0x1A00] =	vst v6;
	s23 =	simm.s32 $0x0  }
0x63: {  	[tilespmem:s16], [sflag:$0x1] =	stream.indirect.gather [hbm4b:s1+s14], $0x1, s15, s14, $0xb8;
	[tilespmem:$0x10630] =	vst v63  }
0x64: {  	v0 =	vld [tilespmem:s23+$0x200];
	_ =	sdelay $0x4  }
0x65: {  	v0 =	vadd.s32 $0xF4240, v0  }
0x66: {  	v1 =	vshrl.u32 v0, $0x7  }
0x67: {  	v1 =	vmul.u32 $0x380, v1;
	_ =	sdelay $0x1  }
0x68: {  	v7 =	vadd.s32 v0, v1  }
0x69: {  	v0 =	vadd.s32 $0x2DC6F80, v7;
	[tilespmem:s23+$0x4400] =	vst v7  }
0x6a: {  	v1 =	vadd.s32 $0x2DC6F00, v7;
	[tilespmem:s23+$0x8200] =	vst v0  }
0x6b: {  	v3 =	vadd.s32 $0x1E84980, v7;
	[tilespmem:s23+$0x8000] =	vst v1  }
0x6c: {  	v4 =	vadd.s32 $0x1E84800, v7;
	[tilespmem:s23+$0x6A00] =	vst v3  }
0x6d: {  	v6 =	vadd.s32 $0xF42700, v7;
	[tilespmem:s23+$0x6400] =	vst v4  }
0x6e: {  	v8 =	vadd.s32 $0x1E84900, v7;
	[tilespmem:s23+$0x6000] =	vst v6  }
0x6f: {  	v11 =	vadd.s32 $0xF42600, v7;
	[tilespmem:s23+$0x6800] =	vst v8  }
0x70: {  	v14 =	vadd.s32 $0x1E84880, v7;
	[tilespmem:s23+$0x5C00] =	vst v11  }
0x71: {  	v0 =	vadd.s32 $0x2DC6E80, v7;
	[tilespmem:s23+$0x6600] =	vst v14  }
0x72: {  	v1 =	vadd.s32 $0x2DC6E00, v7;
	[tilespmem:s23+$0x7E00] =	vst v0  }
0x73: {  	v0 =	vadd.s32 $0x2DC6D80, v7;
	[tilespmem:s23+$0x7C00] =	vst v1  }
0x74: {  	v2 =	vadd.s32 $0x100, v7;
	v1 =	vadd.s32 $0x2DC6D00, v7;
	[tilespmem:s23+$0x7A00] =	vst v0  }
0x75: {  	v5 =	vadd.s32 $0x180, v7;
	v13 =	vadd.s32 $0xF42780, v7;
	v0 =	vadd.s32 $0x1E84A00, v7;
	[tilespmem:s23+$0x7800] =	vst v1  }
0x76: {  	v9 =	vadd.s32 $0x300, v7;
	v10 =	vadd.s32 $0xF42400, v7;
	v1 =	vadd.s32 $0x2DC6C80, v7;
	[tilespmem:s23+$0x6C00] =	vst v0  }
0x77: {  	v12 =	vadd.s32 $0x380, v7;
	v3 =	vadd.s32 $0xF42680, v7;
	v0 =	vadd.s32 $0x2DC6C00, v7;
	[tilespmem:s23+$0x7600] =	vst v1  }
0x78: {  	v4 =	vadd.s32 $0x200, v7;
	v8 =	vadd.s32 $0xF42480, v7;
	v1 =	vadd.s32 $0x1E84B80, v7;
	[tilespmem:s23+$0x7400] =	vst v0  }
0x79: {  	v6 =	vadd.s32 $0x280, v7;
	v11 =	vadd.s32 $0xF42500, v7;
	v0 =	vadd.s32 $0x1E84A80, v7;
	[tilespmem:s23+$0x7200] =	vst v1  }
0x7a: {  	s24 =	simm.s32 $0x40;
	v1 =	vadd.s32 $0x80, v7;
	[tilespmem:s23+$0x6E00] =	vst v0;
	v0 =	vadd.s32 $0x1E84B00, v7;
	v7 =	vadd.s32 $0xF42580, v7  }
.LBB2_4:
0x7b: {  	s25 =	sshra.s32 s24, $0x2;
	p0 =	sne.s32 s24, $0x7C0;
	s24 =	sadd.s32 $0x40, s24;
	[tilespmem:s23+$0x6200] =	vst v13  }
0x7c: {  	v13 =	vld [tilespmem:s25+$0x200];
	[tilespmem:s23+$0x4600] =	vst v1  }
0x7d: {  	[tilespmem:s23+$0x4A00] =	vst v5  }
0x7e: {  	[tilespmem:s23+$0x4800] =	vst v2  }
0x7f: {  	[tilespmem:s23+$0x5E00] =	vst v3  }
0x80: {  	[tilespmem:s23+$0x4C00] =	vst v4  }
0x81: {  	v1 =	vadd.s32 $0xF4240, v13;
	[tilespmem:s23+$0x4E00] =	vst v6  }
0x82: {  	v2 =	vshrl.u32 v1, $0x7;
	[tilespmem:s23+$0x5000] =	vst v9  }
0x83: {  	v2 =	vmul.u32 $0x380, v2;
	[tilespmem:s23+$0x5200] =	vst v12  }
0x84: {  	[tilespmem:s23+$0x7000] =	vst v0  }
0x85: {  	v14 =	vadd.s32 v1, v2;
	[tilespmem:s23+$0x5400] =	vst v10  }
0x86: {  	v1 =	vadd.s32 $0x80, v14;
	v0 =	vadd.s32 $0x1E84B00, v14;
	v9 =	vadd.s32 $0x2DC6F80, v14;
	[tilespmem:s23+$0x5600] =	vst v8  }
0x87: {  	v2 =	vadd.s32 $0x100, v14;
	v15 =	vadd.s32 $0xF42600, v14;
	v8 =	vadd.s32 $0x2DC6F00, v14;
	[tilespmem:s23+$0x5800] =	vst v11  }
0x88: {  	v5 =	vadd.s32 $0x180, v14;
	v3 =	vadd.s32 $0xF42680, v14;
	v10 =	vadd.s32 $0x2DC6E80, v14;
	[tilespmem:s25+$0x4400] =	vst v14  }
0x89: {  	v4 =	vadd.s32 $0x200, v14;
	v16 =	vadd.s32 $0xF42700, v14;
	v11 =	vadd.s32 $0x2DC6E00, v14;
	[tilespmem:s23+$0x5A00] =	vst v7;
	s23 =	smov.u32 s25  }
0x8a: {  	v6 =	vadd.s32 $0x280, v14;
	v13 =	vadd.s32 $0xF42780, v14;
	v7 =	vadd.s32 $0x2DC6D80, v14;
	[tilespmem:s23+$0x8200] =	vst v9  }
0x8b: {  	v17 =	vadd.s32 $0x1E84800, v14;
	v18 =	vadd.s32 $0x2DC6D00, v14;
	v9 =	vadd.s32 $0x300, v14;
	[tilespmem:s23+$0x8000] =	vst v8  }
0x8c: {  	v12 =	vadd.s32 $0x380, v14;
	v19 =	vadd.s32 $0x1E84880, v14;
	v20 =	vadd.s32 $0x2DC6C80, v14;
	[tilespmem:s23+$0x7E00] =	vst v10  }
0x8d: {  	v21 =	vadd.s32 $0x1E84900, v14;
	v10 =	vadd.s32 $0xF42400, v14;
	[tilespmem:s23+$0x7C00] =	vst v11  }
0x8e: {  	v22 =	vadd.s32 $0x1E84980, v14;
	v8 =	vadd.s32 $0xF42480, v14;
	[tilespmem:s23+$0x7A00] =	vst v7  }
0x8f: {  	v23 =	vadd.s32 $0x1E84A00, v14;
	v11 =	vadd.s32 $0xF42500, v14;
	[tilespmem:s23+$0x7800] =	vst v18  }
0x90: {  	v7 =	vadd.s32 $0xF42580, v14;
	v18 =	vadd.s32 $0x1E84A80, v14;
	[tilespmem:s23+$0x6C00] =	vst v23;
	v23 =	vadd.s32 $0x2DC6C00, v14  }
0x91: {  	v14 =	vadd.s32 $0x1E84B80, v14;
	[tilespmem:s23+$0x7600] =	vst v20  }
0x92: {  	[tilespmem:s23+$0x7400] =	vst v23  }
0x93: {  	[tilespmem:s23+$0x7200] =	vst v14  }
0x94: {  	[tilespmem:s23+$0x6E00] =	vst v18  }
0x95: {  	[tilespmem:s23+$0x6A00] =	vst v22  }
.Ltmp1:
0x96: {  	[tilespmem:s23+$0x6400] =	vst v17;
	(pc) =	sbr.rel @p0 .LBB2_4-.Ltmp1, $4  }
0x97: {  	[tilespmem:s23+$0x6000] =	vst v16  }
0x98: {  	[tilespmem:s23+$0x6800] =	vst v21  }
0x99: {  	[tilespmem:s23+$0x5C00] =	vst v15  }
0x9a: {  	[tilespmem:s23+$0x6600] =	vst v19  }
0x9b: {  	[tilespmem:s23+$0x6200] =	vst v13  }
0x9c: {  	[tilespmem:s23+$0x4600] =	vst v1  }
0x9d: {  	[tilespmem:s23+$0x4A00] =	vst v5  }
0x9e: {  	[tilespmem:s23+$0x4800] =	vst v2  }
0x9f: {  	[tilespmem:s23+$0x5E00] =	vst v3  }
0xa0: {  	[tilespmem:s23+$0x4C00] =	vst v4  }
0xa1: {  	[tilespmem:s23+$0x4E00] =	vst v6  }
0xa2: {  	[tilespmem:s23+$0x5000] =	vst v9  }
0xa3: {  	[tilespmem:s23+$0x5200] =	vst v12  }
0xa4: {  	[tilespmem:s23+$0x7000] =	vst v0  }
0xa5: {  	[tilespmem:s23+$0x5400] =	vst v10  }
0xa6: {  	[tilespmem:s23+$0x5600] =	vst v8  }
0xa7: {  	[tilespmem:s23+$0x5800] =	vst v11  }
0xa8: {  	[tilespmem:s23+$0x5A00] =	vst v7  }
0xa9: {  	[tilespmem:s18], [sflag:$0x2] =	stream.indirect.gather [hbm4b:s1+s14], $0x1, s17, s14, $0xb8;
	[tilespmem:$0x10630] =	vst v63  }
0xaa: {  	_ =	swait.ge [sflag:s19], $0x4000  }
0xab: {  	[sflag:s19] =	ssyncset.done $0x0  }
0xac: {  	[sflag:s19] =	ssyncadd.s32 $0xFFFFC000  }
0xad: {  	_ =	swait.ge [sflag:s20], $0x4000  }
0xae: {  	[sflag:s20] =	ssyncset.done $0x0  }
0xaf: {  	[sflag:s20] =	ssyncadd.s32 $0xFFFFC000  }
0xb0: {  	v16 =	vld [tilespmem:$0x10400]  }
0xb1: {  	v30 =	vld [tilespmem:$0x10410]  }
0xb2: {  	s23 =	simm.s32 $0x0;
	v0 =	vld [tilespmem:$0x10420]  }
0xb3: {  	v1 =	vld [tilespmem:s23+$0x8400]  }
0xb4: {  	v2 =	vld [tilespmem:s23+$0xC400]  }
0xb5: {  	v3 =	vld [tilespmem:s23+$0x8600]  }
0xb6: {  	v4 =	vld [tilespmem:s23+$0xC600]  }
0xb7: {  	v6 =	vld [tilespmem:s23+$0x8800]  }
0xb8: {  	v7 =	vld [tilespmem:s23+$0xC800]  }
0xb9: {  	v8 =	vld [tilespmem:s23+$0x8A00]  }
0xba: {  	v9 =	vld [tilespmem:s23+$0xCA00]  }
0xbb: {  	v11 =	vld [tilespmem:s23+$0x8C00]  }
0xbc: {  	v12 =	vld [tilespmem:s23+$0xCC00];
	v5 =	vbroadcast v16, $0x0;
	v2 =	vmul.f32 v2, v1  }
0xbd: {  	v13 =	vld [tilespmem:s23+$0xCE00];
	v1 =	vbroadcast v16, $0x1  }
0xbe: {  	v14 =	vld [tilespmem:s23+$0xD000];
	v3 =	vmul.f32 v4, v3;
	v10 =	vmul.f32 v2, v5  }
0xbf: {  	v15 =	vld [tilespmem:s23+$0xD200];
	v6 =	vmul.f32 v7, v6  }
0xc0: {  	v17 =	vld [tilespmem:s23+$0xD400];
	v2 =	vbroadcast v16, $0x2;
	v4 =	vadd.f32 v10, v0;
	v10 =	vmul.f32 v3, v1  }
0xc1: {  	v7 =	vld [tilespmem:s23+$0x8E00];
	v8 =	vmul.f32 v9, v8  }
0xc2: {  	v9 =	vld [tilespmem:s23+$0x9000];
	v3 =	vbroadcast v16, $0x3;
	v6 =	vmul.f32 v6, v2;
	v10 =	vadd.f32 v10, v4  }
0xc3: {  	v18 =	vld [tilespmem:s23+$0xD600];
	v11 =	vmul.f32 v12, v11  }
0xc4: {  	v12 =	vld [tilespmem:s23+$0x9200];
	v4 =	vbroadcast v16, $0x4;
	v8 =	vmul.f32 v8, v3;
	v10 =	vadd.f32 v6, v10  }
0xc5: {  	v19 =	vld [tilespmem:s23+$0xD800];
	v6 =	vbroadcast v16, $0x5  }
0xc6: {  	v20 =	vld [tilespmem:s23+$0xDA00];
	v8 =	vadd.f32 v8, v10;
	v10 =	vmul.f32 v11, v4;
	v11 =	vmul.f32 v13, v7  }
0xc7: {  	v9 =	vmul.f32 v14, v9;
	v13 =	vld [tilespmem:s23+$0x9400]  }
0xc8: {  	v14 =	vld [tilespmem:s23+$0x9600];
	v7 =	vbroadcast v16, $0x6;
	v10 =	vadd.f32 v10, v8;
	v11 =	vmul.f32 v11, v6  }
0xc9: {  	v21 =	vld [tilespmem:s23+$0xDC00];
	v12 =	vmul.f32 v15, v12  }
0xca: {  	v15 =	vld [tilespmem:s23+$0x9800];
	v8 =	vbroadcast v16, $0x7;
	v10 =	vadd.f32 v11, v10;
	v11 =	vmul.f32 v9, v7  }
0xcb: {  	v22 =	vld [tilespmem:s23+$0xDE00];
	v9 =	vbroadcast v16, $0x8  }
0xcc: {  	v23 =	vld [tilespmem:s23+$0xE000];
	v12 =	vmul.f32 v12, v8;
	v13 =	vmul.f32 v17, v13;
	v11 =	vadd.f32 v11, v10  }
0xcd: {  	v14 =	vmul.f32 v18, v14;
	v17 =	vld [tilespmem:s23+$0x9A00]  }
0xce: {  	v18 =	vld [tilespmem:s23+$0x9C00];
	v10 =	vbroadcast v16, $0x9;
	v13 =	vmul.f32 v13, v9;
	v12 =	vadd.f32 v12, v11  }
0xcf: {  	v24 =	vld [tilespmem:s23+$0xE200];
	v15 =	vmul.f32 v19, v15  }
0xd0: {  	v19 =	vld [tilespmem:s23+$0x9E00];
	v11 =	vbroadcast v16, $0xA;
	v14 =	vmul.f32 v14, v10;
	v13 =	vadd.f32 v13, v12  }
0xd1: {  	v25 =	vld [tilespmem:s23+$0xE400];
	v12 =	vbroadcast v16, $0xB  }
0xd2: {  	v26 =	vld [tilespmem:s23+$0xE800];
	v15 =	vmul.f32 v15, v11;
	v17 =	vmul.f32 v20, v17;
	v14 =	vadd.f32 v14, v13  }
0xd3: {  	v18 =	vmul.f32 v21, v18;
	v20 =	vld [tilespmem:s23+$0xA000]  }
0xd4: {  	v21 =	vld [tilespmem:s23+$0xA200];
	v13 =	vbroadcast v16, $0xC;
	v17 =	vmul.f32 v17, v12;
	v15 =	vadd.f32 v15, v14  }
0xd5: {  	v27 =	vld [tilespmem:s23+$0xEA00];
	v19 =	vmul.f32 v22, v19  }
0xd6: {  	v22 =	vld [tilespmem:s23+$0xA400];
	v14 =	vbroadcast v16, $0xD;
	v18 =	vmul.f32 v18, v13;
	v17 =	vadd.f32 v17, v15  }
0xd7: {  	v28 =	vld [tilespmem:s23+$0xEC00];
	v15 =	vbroadcast v16, $0xE  }
0xd8: {  	v17 =	vadd.f32 v18, v17;
	v18 =	vmul.f32 v19, v14;
	v19 =	vmul.f32 v23, v20;
	v20 =	vld [tilespmem:s23+$0xA600]  }
0xd9: {  	v21 =	vmul.f32 v24, v21;
	v23 =	vld [tilespmem:s23+$0xE600]  }
0xda: {  	v24 =	vld [tilespmem:s23+$0xA800];
	v16 =	vbroadcast v16, $0xF;
	v18 =	vadd.f32 v18, v17;
	v19 =	vmul.f32 v19, v15  }
0xdb: {  	v29 =	vld [tilespmem:s23+$0xEE00];
	v22 =	vmul.f32 v25, v22  }
0xdc: {  	v25 =	vld [tilespmem:s23+$0xAA00];
	v21 =	vmul.f32 v21, v16;
	v17 =	vbroadcast v30, $0x0;
	v19 =	vadd.f32 v19, v18  }
0xdd: {  	v31 =	vld [tilespmem:s23+$0xF000];
	v18 =	vbroadcast v30, $0x1  }
0xde: {  	v32 =	vld [tilespmem:s23+$0xF200];
	v22 =	vmul.f32 v22, v17;
	v20 =	vmul.f32 v23, v20;
	v21 =	vadd.f32 v21, v19  }
0xdf: {  	v24 =	vmul.f32 v26, v24;
	v23 =	vld [tilespmem:s23+$0xAC00]  }
0xe0: {  	v26 =	vld [tilespmem:s23+$0xAE00];
	v19 =	vbroadcast v30, $0x2;
	v21 =	vadd.f32 v22, v21;
	v22 =	vmul.f32 v20, v18  }
0xe1: {  	v33 =	vld [tilespmem:s23+$0xF400];
	v25 =	vmul.f32 v27, v25  }
0xe2: {  	v27 =	vld [tilespmem:s23+$0xB000];
	v20 =	vbroadcast v30, $0x3;
	v24 =	vmul.f32 v24, v19;
	v22 =	vadd.f32 v22, v21  }
0xe3: {  	v34 =	vld [tilespmem:s23+$0xF600];
	v21 =	vbroadcast v30, $0x4  }
0xe4: {  	v25 =	vmul.f32 v25, v20;
	v23 =	vmul.f32 v28, v23;
	v28 =	vld [tilespmem:s23+$0xB200];
	v24 =	vadd.f32 v24, v22  }
0xe5: {  	v61 =	vld [tilespmem:s23+$0xB800];
	v26 =	vmul.f32 v29, v26  }
0xe6: {  	v29 =	vld [tilespmem:s23+$0xB400];
	v22 =	vbroadcast v30, $0x5;
	v24 =	vadd.f32 v25, v24;
	v25 =	vmul.f32 v23, v21  }
0xe7: {  	v35 =	vld [tilespmem:s23+$0xF800];
	v27 =	vmul.f32 v31, v27  }
0xe8: {  	v31 =	vld [tilespmem:s23+$0xB600];
	v23 =	vbroadcast v30, $0x6;
	v26 =	vmul.f32 v26, v22;
	v25 =	vadd.f32 v25, v24  }
0xe9: {  	v62 =	vld [tilespmem:s23+$0xBA00];
	v28 =	vmul.f32 v32, v28  }
0xea: {  	v36 =	vld [tilespmem:s23+$0xFA00];
	v24 =	vbroadcast v30, $0x7;
	v27 =	vmul.f32 v27, v23;
	v26 =	vadd.f32 v26, v25  }
0xeb: {  	v63 =	vld [tilespmem:s23+$0xBC00];
	v29 =	vmul.f32 v33, v29  }
0xec: {  	v37 =	vld [tilespmem:s23+$0xFC00];
	v25 =	vbroadcast v30, $0x8;
	v28 =	vmul.f32 v28, v24;
	v27 =	vadd.f32 v27, v26  }
0xed: {  	v40 =	vld [tilespmem:s23+$0xBE00];
	v31 =	vmul.f32 v34, v31  }
0xee: {  	v41 =	vld [tilespmem:s23+$0xFE00];
	v26 =	vbroadcast v30, $0x9;
	v29 =	vmul.f32 v29, v25;
	v28 =	vadd.f32 v28, v27  }
0xef: {  	v32 =	vmul.f32 v35, v61  }
0xf0: {  	v27 =	vbroadcast v30, $0xA;
	v31 =	vmul.f32 v31, v26;
	v28 =	vadd.f32 v29, v28  }
0xf1: {  	v36 =	vmul.f32 v36, v62  }
0xf2: {  	v33 =	vld [tilespmem:s23+$0xC000];
	v29 =	vbroadcast v30, $0xB;
	v32 =	vmul.f32 v32, v27;
	v38 =	vadd.f32 v31, v28  }
0xf3: {  	v42 =	vmul.f32 v37, v63;
	v40 =	vmul.f32 v41, v40;
	v35 =	vld [tilespmem:s23+$0x10000]  }
0xf4: {  	v37 =	vld [tilespmem:s23+$0x10200];
	v31 =	vbroadcast v30, $0xC;
	v39 =	vmul.f32 v36, v29;
	v38 =	vadd.f32 v32, v38  }
0xf5: {  	s25 =	simm.s32 $0x10;
	v34 =	vld [tilespmem:s23+$0xC200];
	v28 =	vbroadcast v30, $0xD;
	v32 =	vbroadcast v30, $0xE  }
0xf6: {  	s24 =	simm.s32 $0x80;
	v36 =	vld [tilespmem:s25+$0x8400];
	v30 =	vbroadcast v30, $0xF;
	v38 =	vadd.f32 v39, v38;
	v39 =	vmul.f32 v42, v31  }
.LBB2_6:
0xf7: {  	p0 =	sne.s32 s24, $0x7C0;
	v41 =	vld [tilespmem:s25+$0xC400]  }
0xf8: {  	v42 =	vld [tilespmem:s25+$0x8600];
	v38 =	vadd.f32 v39, v38;
	v39 =	vmul.f32 v40, v28;
	v33 =	vmul.f32 v35, v33  }
0xf9: {  	v35 =	vld [tilespmem:s25+$0xC600]  }
0xfa: {  	v40 =	vld [tilespmem:s25+$0x8800];
	v38 =	vadd.f32 v39, v38;
	v33 =	vmul.f32 v33, v32;
	v34 =	vmul.f32 v37, v34  }
0xfb: {  	v37 =	vld [tilespmem:s25+$0xC800]  }
0xfc: {  	v36 =	vmul.f32 v41, v36;
	v39 =	vld [tilespmem:s25+$0x8A00];
	v33 =	vadd.f32 v33, v38;
	v34 =	vmul.f32 v34, v30  }
0xfd: {  	v38 =	vld [tilespmem:s25+$0xCA00]  }
0xfe: {  	v36 =	vmul.f32 v36, v5;
	v35 =	vmul.f32 v35, v42;
	v41 =	vld [tilespmem:s25+$0x8C00];
	v33 =	vadd.f32 v34, v33  }
0xff: {  	v34 =	vld [tilespmem:s25+$0xCC00]  }
0x100: {  	v36 =	vadd.f32 v36, v0;
	v35 =	vmul.f32 v35, v1;
	v37 =	vmul.f32 v37, v40;
	v40 =	vld [tilespmem:s25+$0x8E00];
	[tilespmem:s23+$0x10430] =	vst v33;
	s23 =	smov.u32 s25  }
0x101: {  	v33 =	vld [tilespmem:s23+$0xCE00]  }
0x102: {  	v35 =	vadd.f32 v35, v36;
	v36 =	vmul.f32 v37, v2;
	v37 =	vmul.f32 v38, v39;
	v38 =	vld [tilespmem:s23+$0x9000]  }
0x103: {  	v39 =	vld [tilespmem:s23+$0xD000]  }
0x104: {  	v35 =	vadd.f32 v36, v35;
	v36 =	vmul.f32 v37, v3;
	v34 =	vmul.f32 v34, v41;
	v37 =	vld [tilespmem:s23+$0x9200]  }
0x105: {  	v41 =	vld [tilespmem:s23+$0xD200]  }
0x106: {  	v35 =	vadd.f32 v36, v35;
	v34 =	vmul.f32 v34, v4;
	v33 =	vmul.f32 v33, v40;
	v36 =	vld [tilespmem:s23+$0x9400]  }
0x107: {  	v40 =	vld [tilespmem:s23+$0xD400]  }
0x108: {  	v34 =	vadd.f32 v34, v35;
	v33 =	vmul.f32 v33, v6;
	v35 =	vmul.f32 v39, v38;
	v38 =	vld [tilespmem:s23+$0x9600]  }
0x109: {  	v39 =	vld [tilespmem:s23+$0xD600]  }
0x10a: {  	v33 =	vadd.f32 v33, v34;
	v34 =	vmul.f32 v35, v7;
	v35 =	vmul.f32 v41, v37;
	v37 =	vld [tilespmem:s23+$0x9800]  }
0x10b: {  	v41 =	vld [tilespmem:s23+$0xD800]  }
0x10c: {  	v33 =	vadd.f32 v34, v33;
	v34 =	vmul.f32 v35, v8;
	v35 =	vmul.f32 v40, v36;
	v36 =	vld [tilespmem:s23+$0x9A00]  }
0x10d: {  	v40 =	vld [tilespmem:s23+$0xDA00]  }
0x10e: {  	v33 =	vadd.f32 v34, v33;
	v34 =	vmul.f32 v35, v9;
	v35 =	vmul.f32 v39, v38;
	v38 =	vld [tilespmem:s23+$0x9C00]  }
0x10f: {  	v39 =	vld [tilespmem:s23+$0xDC00]  }
0x110: {  	v33 =	vadd.f32 v34, v33;
	v34 =	vmul.f32 v35, v10;
	v35 =	vmul.f32 v41, v37;
	v37 =	vld [tilespmem:s23+$0x9E00]  }
0x111: {  	v41 =	vld [tilespmem:s23+$0xDE00]  }
0x112: {  	v33 =	vadd.f32 v34, v33;
	v34 =	vmul.f32 v35, v11;
	v35 =	vmul.f32 v40, v36;
	v36 =	vld [tilespmem:s23+$0xA000]  }
0x113: {  	v40 =	vld [tilespmem:s23+$0xE000]  }
0x114: {  	v33 =	vadd.f32 v34, v33;
	v34 =	vmul.f32 v35, v12;
	v35 =	vmul.f32 v39, v38;
	v38 =	vld [tilespmem:s23+$0xA200]  }
0x115: {  	v39 =	vld [tilespmem:s23+$0xE200]  }
0x116: {  	v33 =	vadd.f32 v34, v33;
	v34 =	vmul.f32 v35, v13;
	v35 =	vmul.f32 v41, v37;
	v37 =	vld [tilespmem:s23+$0xA400]  }
0x117: {  	v41 =	vld [tilespmem:s23+$0xE400]  }
0x118: {  	v33 =	vadd.f32 v34, v33;
	v34 =	vmul.f32 v35, v14;
	v35 =	vmul.f32 v40, v36;
	v36 =	vld [tilespmem:s23+$0xA600]  }
0x119: {  	v40 =	vld [tilespmem:s23+$0xE600]  }
0x11a: {  	v33 =	vadd.f32 v34, v33;
	v34 =	vmul.f32 v35, v15;
	v35 =	vmul.f32 v39, v38;
	v38 =	vld [tilespmem:s23+$0xA800]  }
0x11b: {  	v39 =	vld [tilespmem:s23+$0xE800]  }
0x11c: {  	v33 =	vadd.f32 v34, v33;
	v34 =	vmul.f32 v35, v16;
	v35 =	vmul.f32 v41, v37;
	v37 =	vld [tilespmem:s23+$0xAA00]  }
0x11d: {  	v41 =	vld [tilespmem:s23+$0xEA00]  }
0x11e: {  	v33 =	vadd.f32 v34, v33;
	v34 =	vmul.f32 v35, v17;
	v35 =	vmul.f32 v40, v36;
	v36 =	vld [tilespmem:s23+$0xAC00]  }
0x11f: {  	v40 =	vld [tilespmem:s23+$0xEC00]  }
0x120: {  	v33 =	vadd.f32 v34, v33;
	v34 =	vmul.f32 v35, v18;
	v35 =	vmul.f32 v39, v38;
	v38 =	vld [tilespmem:s23+$0xAE00]  }
0x121: {  	v39 =	vld [tilespmem:s23+$0xEE00]  }
0x122: {  	v33 =	vadd.f32 v34, v33;
	v34 =	vmul.f32 v35, v19;
	v35 =	vmul.f32 v41, v37;
	v37 =	vld [tilespmem:s23+$0xB000]  }
0x123: {  	v41 =	vld [tilespmem:s23+$0xF000]  }
0x124: {  	v33 =	vadd.f32 v34, v33;
	v34 =	vmul.f32 v35, v20;
	v35 =	vmul.f32 v40, v36;
	v36 =	vld [tilespmem:s23+$0xB200]  }
0x125: {  	v40 =	vld [tilespmem:s23+$0xF200]  }
0x126: {  	v33 =	vadd.f32 v34, v33;
	v34 =	vmul.f32 v35, v21;
	v35 =	vmul.f32 v39, v38;
	v38 =	vld [tilespmem:s23+$0xB400]  }
0x127: {  	v39 =	vld [tilespmem:s23+$0xF400]  }
0x128: {  	v33 =	vadd.f32 v34, v33;
	v34 =	vmul.f32 v35, v22;
	v35 =	vmul.f32 v41, v37;
	v37 =	vld [tilespmem:s23+$0xB600]  }
0x129: {  	v41 =	vld [tilespmem:s23+$0xF600]  }
0x12a: {  	v33 =	vadd.f32 v34, v33;
	v34 =	vmul.f32 v35, v23;
	v35 =	vmul.f32 v40, v36;
	v36 =	vld [tilespmem:s23+$0xB800]  }
0x12b: {  	v40 =	vld [tilespmem:s23+$0xF800]  }
0x12c: {  	v33 =	vadd.f32 v34, v33;
	v34 =	vmul.f32 v35, v24;
	v35 =	vmul.f32 v39, v38;
	v38 =	vld [tilespmem:s23+$0xBA00]  }
0x12d: {  	v39 =	vld [tilespmem:s23+$0xFA00]  }
0x12e: {  	v33 =	vadd.f32 v34, v33;
	v34 =	vmul.f32 v35, v25;
	v35 =	vmul.f32 v41, v37;
	v37 =	vld [tilespmem:s23+$0xBC00]  }
0x12f: {  	v41 =	vld [tilespmem:s23+$0xFC00]  }
0x130: {  	v33 =	vadd.f32 v34, v33;
	v34 =	vmul.f32 v35, v26;
	v35 =	vmul.f32 v40, v36;
	v40 =	vld [tilespmem:s23+$0xBE00]  }
0x131: {  	v42 =	vld [tilespmem:s23+$0xFE00]  }
.Ltmp2:
0x132: {  	v34 =	vadd.f32 v34, v33;
	v36 =	vmul.f32 v35, v27;
	v38 =	vmul.f32 v39, v38;
	v33 =	vld [tilespmem:s23+$0xC000];
	(pc) =	sbr.rel @p0 .LBB2_6-.Ltmp2, $4  }
0x133: {  	v35 =	vld [tilespmem:s23+$0x10000]  }
0x134: {  	v39 =	vadd.f32 v36, v34;
	v38 =	vmul.f32 v38, v29;
	v41 =	vmul.f32 v41, v37;
	v34 =	vld [tilespmem:s23+$0xC200]  }
0x135: {  	s25 =	sshra.s32 s24, $0x2;
	v37 =	vld [tilespmem:s23+$0x10200]  }
0x136: {  	s24 =	sadd.s32 $0x40, s24;
	v36 =	vld [tilespmem:s25+$0x8400];
	v38 =	vadd.f32 v38, v39;
	v39 =	vmul.f32 v41, v31;
	v40 =	vmul.f32 v42, v40  }
0x137: {  	v41 =	vld [tilespmem:s25+$0xC400]  }
0x138: {  	v42 =	vld [tilespmem:s25+$0x8600];
	v38 =	vadd.f32 v39, v38;
	v45 =	vmul.f32 v40, v28;
	v33 =	vmul.f32 v35, v33  }
0x139: {  	v46 =	vld [tilespmem:s25+$0xC600]  }
0x13a: {  	v47 =	vld [tilespmem:s25+$0x8800];
	v38 =	vadd.f32 v45, v38;
	v33 =	vmul.f32 v33, v32;
	v34 =	vmul.f32 v37, v34  }
0x13b: {  	v48 =	vld [tilespmem:s25+$0xC800]  }
0x13c: {  	v49 =	vld [tilespmem:s25+$0x8A00];
	v36 =	vmul.f32 v41, v36;
	v33 =	vadd.f32 v33, v38;
	v34 =	vmul.f32 v34, v30  }
0x13d: {  	v50 =	vld [tilespmem:s25+$0xCA00]  }
0x13e: {  	v51 =	vld [tilespmem:s25+$0x8C00];
	v35 =	vmul.f32 v46, v42;
	v5 =	vmul.f32 v36, v5;
	v33 =	vadd.f32 v34, v33  }
0x13f: {  	v52 =	vld [tilespmem:s25+$0xCC00]  }
0x140: {  	v53 =	vld [tilespmem:s25+$0x8E00];
	v54 =	vmul.f32 v48, v47;
	v1 =	vmul.f32 v35, v1;
	v0 =	vadd.f32 v5, v0;
	[tilespmem:s23+$0x10430] =	vst v33  }
0x141: {  	v33 =	vld [tilespmem:s25+$0xCE00]  }
0x142: {  	v56 =	vmul.f32 v50, v49;
	v55 =	vmul.f32 v54, v2;
	v57 =	vld [tilespmem:s25+$0x9000];
	v0 =	vadd.f32 v1, v0  }
0x143: {  	v58 =	vld [tilespmem:s25+$0xD000]  }
0x144: {  	v60 =	vmul.f32 v52, v51;
	v59 =	vmul.f32 v56, v3;
	v61 =	vld [tilespmem:s25+$0x9200];
	v0 =	vadd.f32 v55, v0  }
0x145: {  	v62 =	vld [tilespmem:s25+$0xD200]  }
0x146: {  	v63 =	vmul.f32 v60, v4;
	v38 =	vld [tilespmem:s25+$0x9400];
	v0 =	vadd.f32 v59, v0;
	v37 =	vmul.f32 v33, v53  }
0x147: {  	v39 =	vld [tilespmem:s25+$0xD400]  }
0x148: {  	v42 =	vld [tilespmem:s25+$0x9600];
	v41 =	vmul.f32 v58, v57;
	v0 =	vadd.f32 v63, v0;
	v40 =	vmul.f32 v37, v6  }
0x149: {  	v43 =	vld [tilespmem:s25+$0xD600]  }
0x14a: {  	v46 =	vld [tilespmem:s25+$0x9800];
	v45 =	vmul.f32 v62, v61;
	v44 =	vmul.f32 v41, v7;
	v0 =	vadd.f32 v40, v0  }
0x14b: {  	v47 =	vld [tilespmem:s25+$0xD800]  }
0x14c: {  	v50 =	vld [tilespmem:s25+$0x9A00];
	v49 =	vmul.f32 v39, v38;
	v48 =	vmul.f32 v45, v8;
	v0 =	vadd.f32 v44, v0  }
0x14d: {  	v51 =	vld [tilespmem:s25+$0xDA00]  }
0x14e: {  	v54 =	vld [tilespmem:s25+$0x9C00];
	v53 =	vmul.f32 v43, v42;
	v52 =	vmul.f32 v49, v9;
	v0 =	vadd.f32 v48, v0  }
0x14f: {  	v55 =	vld [tilespmem:s25+$0xDC00]  }
0x150: {  	v57 =	vmul.f32 v47, v46;
	v58 =	vld [tilespmem:s25+$0x9E00];
	v56 =	vmul.f32 v53, v10;
	v0 =	vadd.f32 v52, v0  }
0x151: {  	v59 =	vld [tilespmem:s25+$0xDE00]  }
0x152: {  	v61 =	vmul.f32 v51, v50;
	v62 =	vld [tilespmem:s25+$0xA000];
	v60 =	vmul.f32 v57, v11;
	v0 =	vadd.f32 v56, v0  }
0x153: {  	v63 =	vld [tilespmem:s25+$0xE000]  }
0x154: {  	v34 =	vld [tilespmem:s25+$0xE200];
	v11 =	vmul.f32 v61, v12;
	v12 =	vmul.f32 v55, v54;
	v0 =	vadd.f32 v60, v0  }
0x155: {  	v33 =	vld [tilespmem:s25+$0xA200]  }
0x156: {  	v38 =	vld [tilespmem:s25+$0xE400];
	v35 =	vmul.f32 v12, v13;
	v36 =	vmul.f32 v59, v58;
	v0 =	vadd.f32 v11, v0  }
0x157: {  	v37 =	vld [tilespmem:s25+$0xA400]  }
0x158: {  	v42 =	vld [tilespmem:s25+$0xE600];
	v39 =	vmul.f32 v36, v14;
	v40 =	vmul.f32 v63, v62;
	v0 =	vadd.f32 v35, v0  }
0x159: {  	v41 =	vld [tilespmem:s25+$0xA600]  }
0x15a: {  	v46 =	vld [tilespmem:s25+$0xE800];
	v44 =	vmul.f32 v34, v33;
	v43 =	vmul.f32 v40, v15;
	v0 =	vadd.f32 v39, v0  }
0x15b: {  	v45 =	vld [tilespmem:s25+$0xA800]  }
0x15c: {  	v50 =	vld [tilespmem:s25+$0xEA00];
	v47 =	vmul.f32 v44, v16;
	v48 =	vmul.f32 v38, v37;
	v0 =	vadd.f32 v43, v0  }
0x15d: {  	v49 =	vld [tilespmem:s25+$0xAA00]  }
0x15e: {  	v53 =	vld [tilespmem:s25+$0xAC00];
	v51 =	vmul.f32 v48, v17;
	v52 =	vmul.f32 v42, v41;
	v0 =	vadd.f32 v47, v0  }
0x15f: {  	v54 =	vld [tilespmem:s25+$0xEC00]  }
0x160: {  	v57 =	vld [tilespmem:s25+$0xAE00];
	v55 =	vmul.f32 v52, v18;
	v56 =	vmul.f32 v46, v45;
	v0 =	vadd.f32 v51, v0  }
0x161: {  	v58 =	vld [tilespmem:s25+$0xEE00]  }
0x162: {  	v61 =	vld [tilespmem:s25+$0xB000];
	v59 =	vmul.f32 v56, v19;
	v60 =	vmul.f32 v50, v49;
	v0 =	vadd.f32 v55, v0  }
0x163: {  	v62 =	vld [tilespmem:s25+$0xF000]  }
0x164: {  	v13 =	vld [tilespmem:s25+$0xB200];
	v12 =	vmul.f32 v54, v53;
	v63 =	vmul.f32 v60, v20;
	v0 =	vadd.f32 v59, v0  }
0x165: {  	v14 =	vld [tilespmem:s25+$0xF200]  }
0x166: {  	v15 =	vmul.f32 v12, v21;
	v16 =	vmul.f32 v58, v57;
	v17 =	vld [tilespmem:s25+$0xB400];
	v0 =	vadd.f32 v63, v0  }
0x167: {  	v18 =	vld [tilespmem:s25+$0xF400]  }
0x168: {  	v21 =	vld [tilespmem:s25+$0xB600];
	v19 =	vmul.f32 v16, v22;
	v20 =	vmul.f32 v62, v61;
	v0 =	vadd.f32 v15, v0  }
0x169: {  	v22 =	vld [tilespmem:s25+$0xF600]  }
0x16a: {  	v36 =	vld [tilespmem:s25+$0xF800];
	v34 =	vmul.f32 v14, v13;
	v33 =	vmul.f32 v20, v23;
	v0 =	vadd.f32 v19, v0  }
0x16b: {  	v35 =	vld [tilespmem:s25+$0xB800]  }
0x16c: {  	v40 =	vld [tilespmem:s25+$0xFA00];
	v37 =	vmul.f32 v34, v24;
	v38 =	vmul.f32 v18, v17;
	v0 =	vadd.f32 v33, v0  }
0x16d: {  	v39 =	vld [tilespmem:s25+$0xBA00]  }
0x16e: {  	v44 =	vld [tilespmem:s25+$0xFC00];
	v41 =	vmul.f32 v38, v25;
	v42 =	vmul.f32 v22, v21;
	v0 =	vadd.f32 v37, v0  }
0x16f: {  	v43 =	vld [tilespmem:s25+$0xBC00]  }
0x170: {  	v48 =	vld [tilespmem:s25+$0xFE00];
	v45 =	vmul.f32 v42, v26;
	v46 =	vmul.f32 v36, v35;
	v0 =	vadd.f32 v41, v0  }
0x171: {  	v47 =	vld [tilespmem:s25+$0xBE00]  }
0x172: {  	v52 =	vld [tilespmem:s25+$0x10000];
	v49 =	vmul.f32 v46, v27;
	v50 =	vmul.f32 v40, v39;
	v0 =	vadd.f32 v45, v0  }
0x173: {  	v51 =	vld [tilespmem:s25+$0xC000]  }
0x174: {  	v56 =	vld [tilespmem:s25+$0x10200];
	v53 =	vmul.f32 v50, v29;
	v54 =	vmul.f32 v44, v43;
	v0 =	vadd.f32 v49, v0  }
0x175: {  	v55 =	vld [tilespmem:s25+$0xC200]  }
0x176: {  	v57 =	vmul.f32 v54, v31;
	v58 =	vmul.f32 v48, v47;
	v0 =	vadd.f32 v53, v0;
	_ =	sdelay $0x1  }
0x177: {  	v59 =	vmul.f32 v58, v28;
	v60 =	vmul.f32 v52, v51;
	v0 =	vadd.f32 v57, v0;
	_ =	sdelay $0x1  }
0x178: {  	v61 =	vmul.f32 v60, v32;
	v62 =	vmul.f32 v56, v55;
	v0 =	vadd.f32 v59, v0;
	_ =	sdelay $0x1  }
0x179: {  	v63 =	vmul.f32 v62, v30;
	v0 =	vadd.f32 v61, v0;
	_ =	sdelay $0x1  }
0x17a: {  	s22 =	sadd.s32 $0x1, s22;
	v0 =	vadd.f32 v63, v0  }
0x17b: {  	p0 =	sne.s32 s22, s9  }
.Ltmp3:
0x17c: {  	[tilespmem:s25+$0x10430] =	vst v0;
	(pc) =	sbr.rel @p0 .LBB2_1-.Ltmp3, $4  }
0x17d: {  	[hbm4b:s8+s4] =	stream.linear.scatter [tilespmem:s21], [sflag:$0x3], $0x200, $0x38;
	[tilespmem:$0x10630] =	vst v63  }
0x17e: {  	_ =	swait.ge [sflag:s10], $0x200  }
0x17f: {  	[sflag:s10] =	ssyncset.done $0x0  }
0x180: {  	[sflag:s10] =	ssyncadd.s32 $0xFFFFFE00  }
0x181: {  	_ =	sfence.sel $0x180000  }
0x182: {  	[bflag:$0x0] =	sbarrier.arrive $0xFFFF  }
0x183: {  	p0 =	sne.s32 s2, $0x0;
	_ =	strace $0x90000047  }
0x184: {  	s0 =	sadd.s32 @!p0 $0x100000, s0;
	[bflag:$0x2] =	sbarrier.arrive $0xFFFF  }
0x185: {  	[sflag:s0] =	ssyncadd.tile.s32 @!p0 $0x1;
	_ =	shalt  }
.Lfunc_end2:
_tile_overlayer_lowered:
.L_overlay_start_2:
0x186: {  	(tag) =	ssettag $0x2  }
0x187: {  	s0 =	rddreg [dreg:$0x0];
	s2 =	stileid.u32  }
0x188: {  	s1 =	rddreg [dreg:$0x1];
	p0 =	sne.s32 s2, $0x0  }
0x189: {  	s3 =	rddreg [dreg:$0x2];
	[bflag:$0x3] =	sbarrier.arrive $0xFFFF;
	s2 =	simm.s32 @!p0 $0x1C03  }
0x18a: {  	[timem:s3], [sflag:s2] =	dma.local @!p0 [hbm:s0], s1  }
0x18b: {  	s0 =	simm.s32 @!p0 $0x3  }
0x18c: {  	_ =	swait.ge @!p0 [sflag:s0], s1  }
0x18d: {  	s1 =	ssub.s32 @!p0 $0x0, s1;
	[sflag:s0] =	ssyncset.done @!p0 $0x0  }
0x18e: {  	[sflag:s0] =	ssyncadd.s32 @!p0 s1  }
0x18f: {  	[bflag:$0x3] =	sbarrier.arrive $0xFFFF  }
0x190: {  	_ =	shalt  }

// kernel: kernel.7.cloned.1.call-start
scs
__scs_entry_jumppad:
0x0: {  	(pc) =	sbr.rel $0x88, $3  }
0x1: {  	(tag) =	ssettag $0x0;
	lr =	simm.s32 $0x1  }
0x2: {  	[smem:$0x3F9B] =	sst lr;
	_ =	strace $0xD0000000  }
0x3: {  	_ = 	snop  }
0x4: {  	_ = 	snop  }
0x5: {  	_ = 	snop  }
0x6: {  	_ = 	snop  }
0x7: {  	_ = 	snop  }
__scs_overlays_trampoline_lowered:
0x8: {  	[smem:$0x3FAA] =	sst s0  }
0x9: {  	[smem:$0x3FAB] =	sst s1  }
0xa: {  	[smem:$0x3FAC] =	sst s2  }
0xb: {  	[smem:$0x3FAD] =	sst s3  }
0xc: {  	[smem:$0x3FAE] =	sst s4  }
0xd: {  	[smem:$0x3FAF] =	sst s5  }
0xe: {  	[smem:$0x3FB0] =	sst s6  }
0xf: {  	[smem:$0x3FB1] =	sst s7  }
0x10: {  	[smem:$0x3FB2] =	sst s8  }
0x11: {  	[smem:$0x3FB3] =	sst s9;
	s0 =	simm.s32 @!p0 $0x0  }
0x12: {  	s1 =	sld [smem:$0x3F99];
	s0 =	simm.s32 @p0 $0x1  }
0x13: {  	[smem:$0x3FB4] =	sst s0;
	s0 =	simm.s32 @!p1 $0x0  }
0x14: {  	s2 =	sld [smem:$0x3F98];
	s0 =	simm.s32 @p1 $0x1  }
0x15: {  	[smem:$0x3FB5] =	sst s0;
	s0 =	simm.s32 @!p2 $0x0  }
0x16: {  	s3 =	sld [smem:$0x3FDB];
	s0 =	simm.s32 @p2 $0x1  }
0x17: {  	s4 =	simm.s32 $0x1BF5;
	[smem:$0x3FB7] =	sst s0  }
0x18: {  	s0 =	sld [smem:$0x3F9A];
	_ =	swait.ge [sflag:s4], $0x0  }
0x19: {  	s7 =	sld [smem:$0x3F9B]  }
0x1a: {  	s8 =	sadd.s32 $0xFFFFE003, lr  }
0x1b: {  	s9 =	sadd.s32 $0xFFFFFEF7, lr;
	s5 =	simm.s32 $0xFFFFFFFF;
	p2 =	slt.u32 s8, $0xFFFFF086  }
0x1c: {  	p1 =	slt.u32 s9, $0xF7A;
	s5 =	simm.s32 @!p2 $0x0  }
0x1d: {  	s5 =	simm.s32 @p1 $0x1;
	p0 =	seq.s32 s7, s2  }
0x1e: {  	s7 =	smul.u32 @!p0 $0xF7A, s2;
	p2 =	seq.s32 @!p0 s5, $0x0  }
0x1f: {  	s9 =	smul.u32 $0xF7A, s1;
	s8 =	simm.s32 @!p0 $0x1BF5;
	p2 =	por !p2, p0  }
0x20: {  	[sflag:s8] =	ssyncset.s32 @!p0 $0xFFFFF086;
	s6 =	sadd.s32 @!p0 s3, s7;
	s7 =	simm.s32 @!p0 $0x108  }
0x21: {  	s3 =	sadd.s32 s3, s9;
	s6 =	sadd.s32 @!p0 $0x88, s6;
	s7 =	simm.s32 @p2 $0x1082  }
0x22: {  	[simem:s7], [sflag:s8] =	dma.local @!p0 [hbm:s6], $0xF7A  }
0x23: {  	s9 =	sor.u32 $0xD0000000, s2;
	s6 =	simm.s32 $0x108;
	_ =	swait.ge @!p0 [sflag:s8], $0x0  }
0x24: {  	s3 =	sadd.s32 $0x88, s3;
	s6 =	simm.s32 @!p1 $0x1082;
	[sflag:s4] =	ssyncset.s32 $0xFFFFF086  }
0x25: {  	[simem:s6], [sflag:s4] =	dma.local [hbm:s3], $0xF7A  }
0x26: {  	[smem:$0x3F9B] =	sst s1;
	(tag) =	ssettag s2;
	_ =	strace s9  }
0x27: {  	s1 =	sld [smem:$0x3FAB]  }
0x28: {  	s2 =	sld [smem:$0x3FAC]  }
0x29: {  	s4 =	sld [smem:$0x3FAE]  }
0x2a: {  	p0 =	seq.s32 s5, $0x0;
	s5 =	sld [smem:$0x3FAF]  }
0x2b: {  	s6 =	sld [smem:$0x3FB0]  }
0x2c: {  	s7 =	sld [smem:$0x3FB1]  }
0x2d: {  	s3 =	simm.s32 $0x108;
	s8 =	sld [smem:$0x3FB2]  }
0x2e: {  	s3 =	simm.s32 @!p0 $0x1082;
	s9 =	sld [smem:$0x3FB3]  }
0x2f: {  	lr =	sadd.s32 s0, s3;
	s0 =	sld [smem:$0x3FAA]  }
0x30: {  	s3 =	sld [smem:$0x3FAD]  }
0x31: {  	[smem:$0x3FB6] =	sst s10  }
0x32: {  	s10 =	sld [smem:$0x3FB4];
	_ =	sdelay $0x3  }
0x33: {  	p0 =	seq.s32 s10, $0x1;
	s10 =	sld [smem:$0x3FB6];
	_ =	sdelay $0x3  }
0x34: {  	[smem:$0x3FB6] =	sst s10  }
0x35: {  	s10 =	sld [smem:$0x3FB5];
	_ =	sdelay $0x3  }
0x36: {  	p1 =	seq.s32 s10, $0x1;
	s10 =	sld [smem:$0x3FB6];
	_ =	sdelay $0x3  }
0x37: {  	[smem:$0x3FB6] =	sst s10  }
0x38: {  	s10 =	sld [smem:$0x3FB7]  }
0x39: {  	_ = 	snop;
	(pc) =	sbr.ind lr, $3  }
0x3a: {  	_ = 	snop  }
0x3b: {  	_ = 	snop  }
0x3c: {  	p2 =	seq.s32 s10, $0x1;
	s10 =	sld [smem:$0x3FB6]  }
0x3d: {  	_ =	shalt  }
0x3e: {  	_ =	shalt  }
0x3f: {  	_ =	shalt  }
0x40: {  	_ =	shalt  }
0x41: {  	_ =	shalt  }
0x42: {  	_ =	shalt  }
0x43: {  	_ =	shalt  }
0x44: {  	_ =	shalt  }
0x45: {  	_ =	shalt  }
0x46: {  	_ =	shalt  }
0x47: {  	_ =	shalt  }
0x48: {  	_ =	shalt  }
0x49: {  	_ =	shalt  }
0x4a: {  	_ =	shalt  }
0x4b: {  	_ =	shalt  }
0x4c: {  	_ =	shalt  }
0x4d: {  	_ =	shalt  }
0x4e: {  	_ =	shalt  }
0x4f: {  	_ =	shalt  }
0x50: {  	_ =	shalt  }
0x51: {  	_ =	shalt  }
0x52: {  	_ =	shalt  }
0x53: {  	_ =	shalt  }
0x54: {  	_ =	shalt  }
0x55: {  	_ =	shalt  }
0x56: {  	_ =	shalt  }
0x57: {  	_ =	shalt  }
0x58: {  	_ =	shalt  }
0x59: {  	_ =	shalt  }
0x5a: {  	_ =	shalt  }
0x5b: {  	_ =	shalt  }
0x5c: {  	_ =	shalt  }
0x5d: {  	_ =	shalt  }
0x5e: {  	_ =	shalt  }
0x5f: {  	_ =	shalt  }
0x60: {  	_ =	shalt  }
0x61: {  	_ =	shalt  }
0x62: {  	_ =	shalt  }
0x63: {  	_ =	shalt  }
0x64: {  	_ =	shalt  }
0x65: {  	_ =	shalt  }
0x66: {  	_ =	shalt  }
0x67: {  	_ =	shalt  }
0x68: {  	_ =	shalt  }
0x69: {  	_ =	shalt  }
0x6a: {  	_ =	shalt  }
0x6b: {  	_ =	shalt  }
0x6c: {  	_ =	shalt  }
0x6d: {  	_ =	shalt  }
0x6e: {  	_ =	shalt  }
0x6f: {  	_ =	shalt  }
0x70: {  	_ =	shalt  }
0x71: {  	_ =	shalt  }
0x72: {  	_ =	shalt  }
0x73: {  	_ =	shalt  }
0x74: {  	_ =	shalt  }
0x75: {  	_ =	shalt  }
0x76: {  	_ =	shalt  }
0x77: {  	_ =	shalt  }
0x78: {  	_ =	shalt  }
0x79: {  	_ =	shalt  }
0x7a: {  	_ =	shalt  }
0x7b: {  	_ =	shalt  }
0x7c: {  	_ =	shalt  }
0x7d: {  	_ =	shalt  }
0x7e: {  	_ =	shalt  }
0x7f: {  	_ =	shalt  }
0x80: {  	_ =	shalt  }
0x81: {  	_ =	shalt  }
0x82: {  	_ =	shalt  }
0x83: {  	_ =	shalt  }
0x84: {  	_ =	shalt  }
0x85: {  	_ =	shalt  }
0x86: {  	_ =	shalt  }
0x87: {  	_ =	shalt  }
.Lfunc_end0:
.L_simem_size_0:
called_computation.1_lowered:
.L_overlay_start_0:
0x88: {  	s2 =	sld [smem:$0x3FD9]  }
0x89: {  	s3 =	sld [smem:$0x3FFE];
	_ =	sdelay $0x1  }
0x8a: {  	s1 =	srdreg.scid  }
0x8b: {  	s0 =	sand.u32 $0x1, s1  }
0x8c: {  	s17 =	sshll.u32 s0, $0xA;
	s2 =	sadd.s32 s3, s2  }
0x8d: {  	s2 =	sadd.s32 s2, s17  }
0x8e: {  	[smem:$0x3FC2] =	sst s2  }
0x8f: {  	_ = 	snop  }
0x90: {  	s2 =	sld [smem:$0x3FD0];
	(tm) =	ssettm $0x1  }
0x91: {  	s18 =	sld [smem:$0x3FFB];
	_ =	sdelay $0x3  }
0x92: {  	_ =	strace s18  }
0x93: {  	s3 =	sld [smem:$0x3FFC];
	_ =	sdelay $0x3  }
0x94: {  	_ =	strace s3  }
0x95: {  	s3 =	sld [smem:$0x3FFD];
	_ =	sdelay $0x3  }
0x96: {  	_ =	strace s3  }
0x97: {  	_ =	strace $0x8FFFFFFF  }
0x98: {  	s19 =	sld [smem:$0x3FDB];
	_ =	sdelay $0x1  }
0x99: {  	s4 =	simm.s32 $_scs_section_size  }
0x9a: {  	s5 =	simm.s32 $_size__tile_overlayer_lowered;
	s6 =	simm.s32 $_tile_overlayer_lowered  }
0x9b: {  	s22 =	simm.s32 $0x1BFF;
	s21 =	sshll.u32 s6, $0x1;
	s3 =	sadd.s32 s4, s19  }
0x9c: {  	s7 =	simm.s32 $0x0;
	s20 =	sshll.u32 s5, $0x1;
	s5 =	sadd.s32 s21, s3  }
0x9d: {  	[timem:s7], [sflag:s22] =	dma.local [hbm:s5], s20  }
0x9e: {  	_ =	swait.ge [sflag:s22], s20  }
0x9f: {  	s4 =	ssub.s32 $0x0, s20;
	[sflag:s22] =	ssyncset.done $0x0  }
0xa0: {  	[sflag:s22] =	ssyncadd.s32 s4;
	_ =	sdelay $0x1  }
0xa1: {  	s23 =	simm.s32 $0x1B8B  }
0xa2: {  	_ =	swait.ge [sflag:s23], $0x1  }
0xa3: {  	[sflag:s23] =	ssyncset.done $0x0  }
0xa4: {  	s25 =	simm.s32 $0x1B8E;
	s24 =	sld [smem:$0x3FFE];
	[sflag:s23] =	ssyncadd.s32 $0xFFFFFFFF  }
0xa5: {  	s26 =	simm.s32 $execute0_lowered;
	[smem:$0x3FD2] =	sst s25  }
0xa6: {  	s5 =	sshll.u32 s26, $0x1;
	_ =	strace $0x80000049;
	[dreg:$0x1] =	wrdreg $0xFFFFFFFF  }
0xa7: {  	s28 =	simm.s32 $_size_execute0_lowered;
	s3 =	sadd.s32 s3, s5;
	[dreg:$0x0] =	wrdreg $0x0  }
0xa8: {  	s5 =	sshll.u32 s28, $0x1;
	[dreg:$0x2] =	wrdreg s3  }
0xa9: {  	[dreg:$0x3] =	wrdreg s5  }
0xaa: {  	[dreg:$0x4] =	wrdreg $0xC0  }
0xab: {  	_ =	task [dreg:s7], $0x5FFFF  }
0xac: {  	[dreg:$0x1] =	wrdreg $0xFFFFFFFF  }
0xad: {  	[dreg:$0x0] =	wrdreg $0x60  }
0xae: {  	[dreg:$0x2] =	wrdreg s24  }
0xaf: {  	[dreg:$0x3] =	wrdreg s2  }
0xb0: {  	[dreg:$0x4] =	wrdreg $0x9  }
0xb1: {  	_ =	task.clear_ibuf [dreg:s7], $0x5FFFF;
	_ =	strace $0x90000049  }
0xb2: {  	s29 =	simm.s32 $0x9;
	_ =	strace $0x8000004B  }
0xb3: {  	_ =	swait.ge [sflag:s29], $0x1  }
0xb4: {  	[sflag:s29] =	ssyncadd.s32 $0xFFFFFFFF  }
0xb5: {  	_ =	strace $0x9000004B  }
0xb6: {  	_ =	sfence  }
0xb7: {  	s30 =	sld [smem:$0x0];
	_ =	sdelay $0x2  }
0xb8: {  	s31 =	sshll.u32 s1, $0xD;
	s1 =	sshrl.u32 s1, $0x2  }
0xb9: {  	s3 =	sand.u32 $0x4000, s31;
	s1 =	sadd.s32 s1, s30  }
0xba: {  	s0 =	sor.u32 s3, s0;
	s1 =	sshll.u32 s1, $0x11  }
0xbb: {  	s0 =	sor.u32 s1, s0  }
0xbc: {  	s0 =	sadd.s32 $0x8F2B, s0  }
0xbd: {  	[sflag:s0] =	ssyncadd.remote.s32 $0x1  }
0xbe: {  	_ =	sfence.sel $0xFFFF  }
0xbf: {  	[dreg:$0x0] =	wrdreg $0xFFFFFFFF;
	(pc) =	sbr.abs _section_cstart, $3  }
0xc0: {  	[dreg:$0x1] =	wrdreg $0xFFFFFFFF  }
0xc1: {  	_ =	task.clear_ibuf [dreg:s7], $0x2FFFF;
	_ =	strace $0x9FFFFFFF  }
0xc2: {  	(tm) =	ssettm $0x7FFFFFFF  }
0xc3: {  	_ =	shalt  }
tec
execute0_lowered:
.L_overlay_start_1:
0x0: {  	(tag) =	ssettag $0x1  }
0x1: {  	s4 =	rddreg [dreg:$0x0]  }
0x2: {  	s8 =	rddreg [dreg:$0x1]  }
0x3: {  	s0 =	rddreg [dreg:$0x2];
	s3 =	srdreg.scid  }
0x4: {  	s2 =	simm.s32 $0x0;
	s1 =	stileid.u32;
	s11 =	simm.s32 $0x200  }
0x5: {  	s12 =	simm.s32 $0x400;
	s13 =	simm.s32 $0x600;
	s14 =	simm.s32 $0x800  }
0x6: {  	s15 =	simm.s32 $0x1;
	s16 =	simm.s32 $0x2;
	s17 =	simm.s32 $0x0  }
0x7: {  	s3 =	sand.u32 $0x1, s3;
	[smem:$0x7FF] =	sst s2;
	s5 =	sshll.u32 s1, $0x7  }
0x8: {  	s6 =	sshll.u32 s3, $0x6;
	_ =	strace $0x8000004A;
	s30 =	ssub.s32 $0x2, s3  }
0x9: {  	s3 =	sadd.s32 $0x1E00, s4;
	s9 =	sor.u32 s6, s5;
	s31 =	sshrl.u32 s30, $0x1  }
0xa: {  	s7 =	sadd.s32 s9, s4;
	s4 =	sadd.s32 $0x20800, s4;
	s10 =	ssub.s32 s30, s31  }
0xb: {  	s8 =	sadd.s32 s8, s9;
	s5 =	sadd.s32 $0xC00, s7;
	s6 =	sadd.s32 $0x400, s7  }
0xc: {  	s7 =	sadd.s32 $0x1600, s7;
	s9 =	smax.u32 s10, $0x1;
	s10 =	simm.s32 $0x3  }
.LBB2_1:
0xd: {  	[tilespmem:s2], [sflag:$0x3] =	stream.linear.gather [hbm4b:s5+s2], $0x200, $0x38;
	[tilespmem:$0xA00] =	vst v63  }
0xe: {  	_ =	swait.ge [sflag:s10], $0x200  }
0xf: {  	[sflag:s10] =	ssyncset.done $0x0  }
0x10: {  	[sflag:s10] =	ssyncadd.s32 $0xFFFFFE00  }
0x11: {  	[tilespmem:s11], [sflag:$0x3] =	stream.linear.gather [hbm4b:s6+s2], $0x200, $0x38;
	[tilespmem:$0xA00] =	vst v63  }
0x12: {  	_ =	swait.ge [sflag:s10], $0x200  }
0x13: {  	[sflag:s10] =	ssyncset.done $0x0  }
0x14: {  	[sflag:s10] =	ssyncadd.s32 $0xFFFFFE00  }
0x15: {  	[tilespmem:s12], [sflag:$0x1] =	stream.indirect.gather [hbm4b:s3+s11], $0x1, s2, s11, $0xb8;
	[tilespmem:$0xA00] =	vst v63  }
0x16: {  	_ = 	snop  }
0x17: {  	[tilespmem:s13], [sflag:$0x2] =	stream.indirect.gather [hbm4b:s4+s11], $0x1, s11, s11, $0xb8;
	[tilespmem:$0xA00] =	vst v63  }
0x18: {  	_ = 	snop  }
0x19: {  	[tilespmem:s14], [sflag:$0x3] =	stream.linear.gather [hbm4b:s7+s2], $0x200, $0x38;
	[tilespmem:$0xA00] =	vst v63  }
0x1a: {  	_ =	swait.ge [sflag:s10], $0x200  }
0x1b: {  	[sflag:s10] =	ssyncset.done $0x0  }
0x1c: {  	[sflag:s10] =	ssyncadd.s32 $0xFFFFFE00  }
0x1d: {  	_ =	swait.ge [sflag:s15], $0x200  }
0x1e: {  	[sflag:s15] =	ssyncset.done $0x0  }
0x1f: {  	[sflag:s15] =	ssyncadd.s32 $0xFFFFFE00  }
0x20: {  	_ =	swait.ge [sflag:s16], $0x200  }
0x21: {  	[sflag:s16] =	ssyncset.done $0x0  }
0x22: {  	s18 =	simm.s32 $0x0;
	[sflag:s16] =	ssyncadd.s32 $0xFFFFFE00  }
0x23: {  	s19 =	simm.s32 $0x40;
	v0 =	vld [tilespmem:s18+$0x400]  }
.LBB2_2:
0x24: {  	p0 =	sne.s32 s19, $0x7C0;
	v1 =	vld [tilespmem:s18+$0x800];
	_ =	sdelay $0x1  }
0x25: {  	v2 =	vld [tilespmem:s18+$0x600];
	_ =	sdelay $0x2  }
.Ltmp0:
0x26: {  	v0 =	vadd.f32 v0, v1;
	(pc) =	sbr.rel @p0 .LBB2_2-.Ltmp0, $4  }
0x27: {  	_ = 	snop  }
0x28: {  	v1 =	vadd.f32 v2, v0  }
0x29: {  	s20 =	sshra.s32 s19, $0x2  }
0x2a: {  	s19 =	sadd.s32 $0x40, s19;
	v0 =	vld [tilespmem:s20+$0x400];
	[tilespmem:s18+$0x800] =	vst v1;
	s18 =	smov.u32 s20  }
0x2b: {  	v1 =	vld [tilespmem:s18+$0x800];
	_ =	sdelay $0x1  }
0x2c: {  	v2 =	vld [tilespmem:s18+$0x600];
	_ =	sdelay $0x2  }
0x2d: {  	v0 =	vadd.f32 v0, v1;
	_ =	sdelay $0x1  }
0x2e: {  	s17 =	sadd.s32 $0x1, s17;
	v0 =	vadd.f32 v2, v0  }
0x2f: {  	p0 =	sne.s32 s17, s9  }
.Ltmp1:
0x30: {  	[tilespmem:s18+$0x800] =	vst v0;
	(pc) =	sbr.rel @p0 .LBB2_1-.Ltmp1, $4  }
0x31: {  	[hbm4b:s8+s2] =	stream.linear.scatter [tilespmem:s14], [sflag:$0x3], $0x200, $0x38;
	[tilespmem:$0xA00] =	vst v63  }
0x32: {  	_ =	swait.ge [sflag:s10], $0x200  }
0x33: {  	[sflag:s10] =	ssyncset.done $0x0  }
0x34: {  	[sflag:s10] =	ssyncadd.s32 $0xFFFFFE00  }
0x35: {  	_ =	sfence.sel $0x180000  }
0x36: {  	[bflag:$0x0] =	sbarrier.arrive $0xFFFF  }
0x37: {  	p0 =	sne.s32 s1, $0x0;
	_ =	strace $0x9000004A  }
0x38: {  	s0 =	sadd.s32 @!p0 $0x100000, s0;
	[bflag:$0x2] =	sbarrier.arrive $0xFFFF  }
0x39: {  	[sflag:s0] =	ssyncadd.tile.s32 @!p0 $0x1;
	_ =	shalt  }
.Lfunc_end2:
_tile_overlayer_lowered:
.L_overlay_start_2:
0x3a: {  	(tag) =	ssettag $0x2  }
0x3b: {  	s0 =	rddreg [dreg:$0x0];
	s2 =	stileid.u32  }
0x3c: {  	s1 =	rddreg [dreg:$0x1];
	p0 =	sne.s32 s2, $0x0  }
0x3d: {  	s3 =	rddreg [dreg:$0x2];
	[bflag:$0x3] =	sbarrier.arrive $0xFFFF;
	s2 =	simm.s32 @!p0 $0x1C03  }
0x3e: {  	[timem:s3], [sflag:s2] =	dma.local @!p0 [hbm:s0], s1  }
0x3f: {  	s0 =	simm.s32 @!p0 $0x3  }
0x40: {  	_ =	swait.ge @!p0 [sflag:s0], s1  }
0x41: {  	s1 =	ssub.s32 @!p0 $0x0, s1;
	[sflag:s0] =	ssyncset.done @!p0 $0x0  }
0x42: {  	[sflag:s0] =	ssyncadd.s32 @!p0 s1  }
0x43: {  	[bflag:$0x3] =	sbarrier.arrive $0xFFFF  }
0x44: {  	_ =	shalt  }

</sc_bundles>
